<compile_context>
chip_gen: v7x
topology: tpu7x:2x2x1
jax: 0.10.2.dev20260603
libtpu: 0.0.44.dev20260713+nightly
codegen_flags: <defaults>
</compile_context>

<pallas_src>
import functools

import jax
import jax.numpy as jnp
from jax import lax
from jax.experimental import pallas as pl
from jax.experimental.pallas import tpu as pltpu
from jax.experimental.pallas import tpu_sc as plsc

NC = 2
NS = 16
NW = NC * NS
CHUNK = 128
N_PAD = 10240
ROWS_PER_TILE = N_PAD // NS
DEG_W = 16
PARTS = NC


def _mesh():
    return plsc.VectorSubcoreMesh(core_axis_name="c", subcore_axis_name="s")


def _deg_body(dst_hbm, out_hbm, idx_v, ones_v, zb_v, acc):
    c = lax.axis_index("c")
    s = lax.axis_index("s")
    wid = c * NS + s
    n_chunks = dst_hbm.shape[1]

    def fill(i, carry):
        ones_v[i, :] = jnp.ones((DEG_W,), jnp.float32)
        zb_v[i, :] = jnp.zeros((DEG_W,), jnp.float32)
        return carry

    lax.fori_loop(0, CHUNK, fill, 0)
    for k in range(ROWS_PER_TILE // CHUNK):
        pltpu.sync_copy(zb_v, acc.at[pl.ds(s * ROWS_PER_TILE + k * CHUNK, CHUNK)])
    plsc.subcore_barrier()

    pltpu.sync_copy(dst_hbm.at[wid], idx_v)

    def body(j, carry):
        pltpu.sync_copy(ones_v, acc.at[idx_v.at[j]], add=True)
        return carry

    lax.fori_loop(0, n_chunks, body, 0)
    plsc.subcore_barrier()
    for k in range(ROWS_PER_TILE // CHUNK):
        sl = pl.ds(s * ROWS_PER_TILE + k * CHUNK, CHUNK)
        pltpu.sync_copy(acc.at[sl], out_hbm.at[c, sl])


def _deg_call(dst_r):
    n_chunks = dst_r.shape[1]
    return pl.kernel(
        _deg_body,
        out_type=jax.ShapeDtypeStruct((NC, N_PAD, DEG_W), jnp.float32),
        mesh=_mesh(),
        scratch_types=[
            pltpu.VMEM((n_chunks, CHUNK), jnp.int32),
            pltpu.VMEM((CHUNK, DEG_W), jnp.float32),
            pltpu.VMEM((CHUNK, DEG_W), jnp.float32),
            pltpu.VMEM_SHARED((N_PAD, DEG_W), jnp.float32),
        ],
        compiler_params=pltpu.CompilerParams(use_tc_tiling_on_sc=False),
    )(dst_r)


def _edge_body(table_hbm, src_hbm, dst_hbm, zrow_hbm, out_hbm,
               sidx_v, didx_v, rows0, rows1, sem0, sem1, tbl, acc):
    c = lax.axis_index("c")
    s = lax.axis_index("s")
    wid = c * NS + s
    n_chunks = src_hbm.shape[1]
    rows = [rows0, rows1]
    sems = [sem0, sem1]

    tile_sl = pl.ds(s * ROWS_PER_TILE, ROWS_PER_TILE)
    cps = [
        pltpu.async_copy(zrow_hbm, acc.at[tile_sl], sem0),
        pltpu.async_copy(table_hbm.at[tile_sl], tbl.at[tile_sl], sem0),
        pltpu.async_copy(src_hbm.at[wid], sidx_v, sem0),
        pltpu.async_copy(dst_hbm.at[wid], didx_v, sem0),
    ]
    for cp in cps:
        cp.wait()
    plsc.subcore_barrier()

    for b in range(2):
        pltpu.async_copy(tbl.at[sidx_v.at[b]], rows[b], sems[b])

    def body(g, carry):
        for b in range(2):
            j = g * 2 + b
            pltpu.make_async_copy(tbl.at[pl.ds(0, CHUNK)], rows[b], sems[b]).wait()
            pltpu.sync_copy(rows[b], acc.at[didx_v.at[j]], add=True)
            pltpu.async_copy(tbl.at[sidx_v.at[j + 2]], rows[b], sems[b])
        return carry

    lax.fori_loop(0, n_chunks // 2 - 1, body, 0)
    for b in range(2):
        j0 = n_chunks - 2 + b
        pltpu.make_async_copy(tbl.at[pl.ds(0, CHUNK)], rows[b], sems[b]).wait()
        pltpu.sync_copy(rows[b], acc.at[didx_v.at[j0]], add=True)
    plsc.subcore_barrier()
    pltpu.sync_copy(acc.at[tile_sl], out_hbm.at[c, tile_sl])


def _edge_call(table, src_r, dst_r, zrow):
    n_chunks = src_r.shape[1]
    d = table.shape[1]
    return pl.kernel(
        _edge_body,
        out_type=jax.ShapeDtypeStruct((NC, N_PAD, d), jnp.float32),
        mesh=_mesh(),
        scratch_types=[
            pltpu.VMEM((n_chunks, CHUNK), jnp.int32),
            pltpu.VMEM((n_chunks, CHUNK), jnp.int32),
            pltpu.VMEM((CHUNK, d), jnp.float32),
            pltpu.VMEM((CHUNK, d), jnp.float32),
            pltpu.SemaphoreType.DMA,
            pltpu.SemaphoreType.DMA,
            pltpu.VMEM_SHARED((N_PAD, d), jnp.float32),
            pltpu.VMEM_SHARED((N_PAD, d), jnp.float32),
        ],
        compiler_params=pltpu.CompilerParams(use_tc_tiling_on_sc=False),
    )(table, src_r, dst_r, zrow)


BLK = 640


def _dis(deg_ref):
    s = deg_ref[0] + deg_ref[1]
    return lax.rsqrt(s[:, 0:1] + 1.0)


_DEG_SPEC = pl.BlockSpec((NC, BLK, DEG_W), lambda i: (0, i, 0))


def _mm_scale_body(x_ref, w_ref, deg_ref, o_ref):
    h = jnp.dot(x_ref[...], w_ref[...], preferred_element_type=jnp.float32)
    o_ref[...] = h * _dis(deg_ref)


def _mm_scale_call(x, w, degp):
    d_in = x.shape[1]
    d_out = w.shape[1]
    return pl.pallas_call(
        _mm_scale_body,
        grid=(N_PAD // BLK,),
        in_specs=[
            pl.BlockSpec((BLK, d_in), lambda i: (i, 0)),
            pl.BlockSpec((d_in, d_out), lambda i: (0, 0)),
            _DEG_SPEC,
        ],
        out_specs=pl.BlockSpec((BLK, d_out), lambda i: (i, 0)),
        out_shape=jax.ShapeDtypeStruct((N_PAD, d_out), jnp.float32),
    )(x, w, degp)


def _agg(ps_ref, g_ref):
    agg = g_ref[...]
    for k in range(PARTS):
        agg = agg + ps_ref[k]
    return agg


def _layer2_body(ps_ref, g1_ref, deg_ref, b_ref, w_ref, o_ref):
    dis = _dis(deg_ref)
    t = dis * _agg(ps_ref, g1_ref) + b_ref[...]
    t = jnp.where(t >= 0, t, 0.01 * t)
    h2 = jnp.dot(t, w_ref[...], preferred_element_type=jnp.float32)
    o_ref[...] = h2 * dis


def _layer2_call(ps, g1, degp, b, w):
    d = g1.shape[1]
    return pl.pallas_call(
        _layer2_body,
        grid=(N_PAD // BLK,),
        in_specs=[
            pl.BlockSpec((PARTS, BLK, d), lambda i: (0, i, 0)),
            pl.BlockSpec((BLK, d), lambda i: (i, 0)),
            _DEG_SPEC,
            pl.BlockSpec((1, d), lambda i: (0, 0)),
            pl.BlockSpec((d, d), lambda i: (0, 0)),
        ],
        out_specs=pl.BlockSpec((BLK, d), lambda i: (i, 0)),
        out_shape=jax.ShapeDtypeStruct((N_PAD, d), jnp.float32),
    )(ps, g1, degp, b, w)


def _final_body(qs_ref, g2_ref, deg_ref, b_ref, w_ref, fb_ref, o_ref):
    t = _dis(deg_ref) * _agg(qs_ref, g2_ref) + b_ref[...]
    o_ref[...] = (
        jnp.dot(t, w_ref[...], preferred_element_type=jnp.float32) + fb_ref[...]
    )


def _final_call(qs, g2, degp, b, w, fb):
    d = g2.shape[1]
    d_out = w.shape[1]
    return pl.pallas_call(
        _final_body,
        grid=(N_PAD // BLK,),
        in_specs=[
            pl.BlockSpec((PARTS, BLK, d), lambda i: (0, i, 0)),
            pl.BlockSpec((BLK, d), lambda i: (i, 0)),
            _DEG_SPEC,
            pl.BlockSpec((1, d), lambda i: (0, 0)),
            pl.BlockSpec((d, d_out), lambda i: (0, 0)),
            pl.BlockSpec((1, d_out), lambda i: (0, 0)),
        ],
        out_specs=pl.BlockSpec((BLK, d_out), lambda i: (i, 0)),
        out_shape=jax.ShapeDtypeStruct((N_PAD, d_out), jnp.float32),
    )(qs, g2, degp, b, w, fb)


def kernel(x, edge_index, W1, b1, W2, b2, fc_W, fc_b):
    n = x.shape[0]
    e = edge_index.shape[1]
    src = edge_index[0]
    dst = edge_index[1]

    per_xfer = NW * CHUNK
    n_chunks = -(-e // per_xfer)
    n_chunks = -(-n_chunks // 2) * 2
    e_pad = per_xfer * n_chunks
    if e_pad != e:
        pad = e_pad - e
        src = jnp.concatenate([src, jnp.zeros((pad,), jnp.int32)])
        dst = jnp.concatenate([dst, jnp.full((pad,), n, jnp.int32)])
    src_r = src.reshape(NW, n_chunks, CHUNK)
    dst_r = dst.reshape(NW, n_chunks, CHUNK)

    d_h = W1.shape[1]
    zrow = jnp.zeros((ROWS_PER_TILE, d_h), jnp.float32)
    degp = _deg_call(dst_r)
    g1 = _mm_scale_call(x, W1, degp)
    p = _edge_call(g1, src_r, dst_r, zrow).reshape(PARTS, N_PAD, d_h)
    g2 = _layer2_call(p, g1, degp, b1[None, :], W2)
    q = _edge_call(g2, src_r, dst_r, zrow).reshape(PARTS, N_PAD, d_h)
    outp = _final_call(q, g2, degp, b2[None, :], fc_W, fc_b[None, :])
    return outp[:n]

# --- scband reference (transcript-rebuilt; emitter-appended) ---
"""Pipeline reference for scband-gcnn-19035295056161 (READ-ONLY COPY).

The authoritative reference and input builder live on the scoring server;
editing this copy changes nothing except your own understanding.
"""

import jax, jax.numpy as jnp
import numpy as np

N = 10000
E = 320000
D_IN = 128
D_H = 64
D_OUT = 4


def setup_inputs(seed: int = 0) -> dict:
    key = jax.random.key(seed)
    ks = jax.random.split(key, 8)
    x = jax.random.normal(ks[0], (N, D_IN), dtype=jnp.float32)
    edge_index = jax.random.randint(ks[1], (2, E), 0, N, dtype=jnp.int32)
    W1 = jax.random.normal(ks[2], (D_IN, D_H), dtype=jnp.float32) * 0.05
    b1 = jnp.zeros((D_H,), dtype=jnp.float32)
    W2 = jax.random.normal(ks[3], (D_H, D_H), dtype=jnp.float32) * 0.05
    b2 = jnp.zeros((D_H,), dtype=jnp.float32)
    fc_W = jax.random.normal(ks[4], (D_H, D_OUT), dtype=jnp.float32) * 0.05
    fc_b = jnp.zeros((D_OUT,), dtype=jnp.float32)
    return {"x": x, "edge_index": edge_index, "W1": W1, "b1": b1, "W2": W2, "b2": b2, "fc_W": fc_W, "fc_b": fc_b}


def _gcn_conv(x, src, dst, W, b):
    # PyG GCNConv: add self loops, symmetric normalization, linear, scatter-add
    loop = jnp.arange(N, dtype=src.dtype)
    src_l = jnp.concatenate([src, loop])
    dst_l = jnp.concatenate([dst, loop])
    deg = jnp.zeros((N,), dtype=x.dtype).at[dst_l].add(1.0)
    deg_inv_sqrt = jnp.where(deg > 0, jax.lax.rsqrt(jnp.maximum(deg, 1e-12)), 0.0)
    norm = deg_inv_sqrt[src_l] * deg_inv_sqrt[dst_l]
    h = x @ W
    msg = h[src_l] * norm[:, None]
    out = jnp.zeros((N, W.shape[1]), dtype=x.dtype).at[dst_l].add(msg)
    return out + b


def reference(x, edge_index, W1, b1, W2, b2, fc_W, fc_b):
    src, dst = edge_index[0], edge_index[1]
    h = _gcn_conv(x, src, dst, W1, b1)
    h = jax.nn.leaky_relu(h, negative_slope=0.01)
    # F.dropout with training=False (eval mode) is identity
    h = _gcn_conv(h, src, dst, W2, b2)
    out = h @ fc_W + fc_b
    return out

if __name__ == "__main__":
    import jax
    _d = setup_inputs()
    print(jax.jit(kernel)(*tuple(_d.values())))

</pallas_src>

<mosaic_0001>
#map = affine_map<(d0, d1) -> (0, 0)>
#map1 = affine_map<(d0, d1) -> (0, 0, 0)>
module attributes {stable_mosaic.version = 14 : i64} {
  func.func @_edge_body(%arg0: i32, %arg1: i32, %arg2: memref<10240x64xf32, #tpu.memory_space<hbm>>, %arg3: memref<32x80x128xi32, #tpu.memory_space<hbm>>, %arg4: memref<32x80x128xi32, #tpu.memory_space<hbm>>, %arg5: memref<640x64xf32, #tpu.memory_space<hbm>>, %arg6: memref<2x10240x64xf32, #tpu.memory_space<hbm>>, %arg7: memref<80x128xi32, #tpu.memory_space<vmem>>, %arg8: memref<80x128xi32, #tpu.memory_space<vmem>>, %arg9: memref<128x64xf32, #tpu.memory_space<vmem>>, %arg10: memref<128x64xf32, #tpu.memory_space<vmem>>, %arg11: memref<!tpu.dma_semaphore, #tpu.memory_space<semaphore_mem>>, %arg12: memref<!tpu.dma_semaphore, #tpu.memory_space<semaphore_mem>>, %arg13: memref<10240x64xf32, #tpu.memory_space<vmem_shared>>, %arg14: memref<10240x64xf32, #tpu.memory_space<vmem_shared>>) attributes {dimension_semantics = [#tpu.dimension_semantics<core_parallel>, #tpu.dimension_semantics<subcore_parallel>], iteration_bounds = array<i64: 2, 16>, scalar_prefetch = 0 : i64, scratch_operands = 8 : i64, tpu.core_type = #tpu.core_type<sc_vector_subcore>, window_params = [{transform_indices = #map}, {transform_indices = #map1}, {transform_indices = #map1}, {transform_indices = #map}, {transform_indices = #map1}]} {
    %mul3A = arith.constant 16 : i32
    %mul3A_0 = arith.muli %arg0, %mul3A : i32
    %add3A = arith.addi %mul3A_0, %arg1 : i32
    %mul3A_1 = arith.constant 640 : i32
    %mul3A_2 = arith.muli %arg1, %mul3A_1 : i32
    %dma_start3A = arith.constant 0 : i32
    %dma_start3A_3 = tpu.memref_slice %arg14[%mul3A_2, %dma_start3A] : memref<10240x64xf32, #tpu.memory_space<vmem_shared>> -> memref<640x64xf32, #tpu.memory_space<vmem_shared>>
    tpu.enqueue_dma source(%arg5 : memref<640x64xf32, #tpu.memory_space<hbm>>) target(%dma_start3A_3 : memref<640x64xf32, #tpu.memory_space<vmem_shared>>) target_semaphore(%arg11 : memref<!tpu.dma_semaphore, #tpu.memory_space<semaphore_mem>>)
    %dma_start3A_4 = arith.constant 0 : i32
    %dma_start3A_5 = tpu.memref_slice %arg13[%mul3A_2, %dma_start3A_4] : memref<10240x64xf32, #tpu.memory_space<vmem_shared>> -> memref<640x64xf32, #tpu.memory_space<vmem_shared>>
    %dma_start3A_6 = arith.constant 0 : i32
    %dma_start3A_7 = tpu.memref_slice %arg2[%mul3A_2, %dma_start3A_6] : memref<10240x64xf32, #tpu.memory_space<hbm>> -> memref<640x64xf32, #tpu.memory_space<hbm>>
    tpu.enqueue_dma source(%dma_start3A_7 : memref<640x64xf32, #tpu.memory_space<hbm>>) target(%dma_start3A_5 : memref<640x64xf32, #tpu.memory_space<vmem_shared>>) target_semaphore(%arg11 : memref<!tpu.dma_semaphore, #tpu.memory_space<semaphore_mem>>)
    %dma_start3A_8 = arith.constant 0 : i32
    %dma_start3A_9 = arith.constant 0 : i32
    %dma_start3A_10 = tpu.memref_slice %arg3[%add3A, %dma_start3A_8, %dma_start3A_9] : memref<32x80x128xi32, #tpu.memory_space<hbm>> -> memref<1x80x128xi32, #tpu.memory_space<hbm>>
    %dma_start3A_11 = tpu.memref_squeeze %dma_start3A_10 : memref<1x80x128xi32, #tpu.memory_space<hbm>> -> memref<80x128xi32, #tpu.memory_space<hbm>>
    %dma_start3A_12 = arith.constant 0 : i32
    %dma_start3A_13 = arith.constant 0 : i32
    %dma_start3A_14 = tpu.memref_slice %arg3[%add3A, %dma_start3A_12, %dma_start3A_13] : memref<32x80x128xi32, #tpu.memory_space<hbm>> -> memref<1x80x128xi32, #tpu.memory_space<hbm>>
    %dma_start3A_15 = tpu.memref_squeeze %dma_start3A_14 : memref<1x80x128xi32, #tpu.memory_space<hbm>> -> memref<80x128xi32, #tpu.memory_space<hbm>>
    tpu.enqueue_dma source(%dma_start3A_15 : memref<80x128xi32, #tpu.memory_space<hbm>>) target(%arg7 : memref<80x128xi32, #tpu.memory_space<vmem>>) target_semaphore(%arg11 : memref<!tpu.dma_semaphore, #tpu.memory_space<semaphore_mem>>)
    %dma_start3A_16 = arith.constant 0 : i32
    %dma_start3A_17 = arith.constant 0 : i32
    %dma_start3A_18 = tpu.memref_slice %arg4[%add3A, %dma_start3A_16, %dma_start3A_17] : memref<32x80x128xi32, #tpu.memory_space<hbm>> -> memref<1x80x128xi32, #tpu.memory_space<hbm>>
    %dma_start3A_19 = tpu.memref_squeeze %dma_start3A_18 : memref<1x80x128xi32, #tpu.memory_space<hbm>> -> memref<80x128xi32, #tpu.memory_space<hbm>>
    %dma_start3A_20 = arith.constant 0 : i32
    %dma_start3A_21 = arith.constant 0 : i32
    %dma_start3A_22 = tpu.memref_slice %arg4[%add3A, %dma_start3A_20, %dma_start3A_21] : memref<32x80x128xi32, #tpu.memory_space<hbm>> -> memref<1x80x128xi32, #tpu.memory_space<hbm>>
    %dma_start3A_23 = tpu.memref_squeeze %dma_start3A_22 : memref<1x80x128xi32, #tpu.memory_space<hbm>> -> memref<80x128xi32, #tpu.memory_space<hbm>>
    tpu.enqueue_dma source(%dma_start3A_23 : memref<80x128xi32, #tpu.memory_space<hbm>>) target(%arg8 : memref<80x128xi32, #tpu.memory_space<vmem>>) target_semaphore(%arg11 : memref<!tpu.dma_semaphore, #tpu.memory_space<semaphore_mem>>)
    %dma_wait3A = arith.constant 0 : i32
    %dma_wait3A_24 = tpu.memref_slice %arg14[%mul3A_2, %dma_wait3A] : memref<10240x64xf32, #tpu.memory_space<vmem_shared>> -> memref<640x64xf32, #tpu.memory_space<vmem_shared>>
    tpu.wait_dma2 semaphore(%arg11 : memref<!tpu.dma_semaphore, #tpu.memory_space<semaphore_mem>>) src(%arg5 : memref<640x64xf32, #tpu.memory_space<hbm>>) dst(%dma_wait3A_24 : memref<640x64xf32, #tpu.memory_space<vmem_shared>>)
    %dma_wait3A_25 = arith.constant 0 : i32
    %dma_wait3A_26 = tpu.memref_slice %arg13[%mul3A_2, %dma_wait3A_25] : memref<10240x64xf32, #tpu.memory_space<vmem_shared>> -> memref<640x64xf32, #tpu.memory_space<vmem_shared>>
    %dma_wait3A_27 = arith.constant 0 : i32
    %dma_wait3A_28 = tpu.memref_slice %arg2[%mul3A_2, %dma_wait3A_27] : memref<10240x64xf32, #tpu.memory_space<hbm>> -> memref<640x64xf32, #tpu.memory_space<hbm>>
    tpu.wait_dma2 semaphore(%arg11 : memref<!tpu.dma_semaphore, #tpu.memory_space<semaphore_mem>>) src(%dma_wait3A_28 : memref<640x64xf32, #tpu.memory_space<hbm>>) dst(%dma_wait3A_26 : memref<640x64xf32, #tpu.memory_space<vmem_shared>>)
    %dma_wait3A_29 = arith.constant 0 : i32
    %dma_wait3A_30 = arith.constant 0 : i32
    %dma_wait3A_31 = tpu.memref_slice %arg3[%add3A, %dma_wait3A_29, %dma_wait3A_30] : memref<32x80x128xi32, #tpu.memory_space<hbm>> -> memref<1x80x128xi32, #tpu.memory_space<hbm>>
    %dma_wait3A_32 = tpu.memref_squeeze %dma_wait3A_31 : memref<1x80x128xi32, #tpu.memory_space<hbm>> -> memref<80x128xi32, #tpu.memory_space<hbm>>
    %dma_wait3A_33 = arith.constant 0 : i32
    %dma_wait3A_34 = arith.constant 0 : i32
    %dma_wait3A_35 = tpu.memref_slice %arg3[%add3A, %dma_wait3A_33, %dma_wait3A_34] : memref<32x80x128xi32, #tpu.memory_space<hbm>> -> memref<1x80x128xi32, #tpu.memory_space<hbm>>
    %dma_wait3A_36 = tpu.memref_squeeze %dma_wait3A_35 : memref<1x80x128xi32, #tpu.memory_space<hbm>> -> memref<80x128xi32, #tpu.memory_space<hbm>>
    tpu.wait_dma2 semaphore(%arg11 : memref<!tpu.dma_semaphore, #tpu.memory_space<semaphore_mem>>) src(%dma_wait3A_36 : memref<80x128xi32, #tpu.memory_space<hbm>>) dst(%arg7 : memref<80x128xi32, #tpu.memory_space<vmem>>)
    %dma_wait3A_37 = arith.constant 0 : i32
    %dma_wait3A_38 = arith.constant 0 : i32
    %dma_wait3A_39 = tpu.memref_slice %arg4[%add3A, %dma_wait3A_37, %dma_wait3A_38] : memref<32x80x128xi32, #tpu.memory_space<hbm>> -> memref<1x80x128xi32, #tpu.memory_space<hbm>>
    %dma_wait3A_40 = tpu.memref_squeeze %dma_wait3A_39 : memref<1x80x128xi32, #tpu.memory_space<hbm>> -> memref<80x128xi32, #tpu.memory_space<hbm>>
    %dma_wait3A_41 = arith.constant 0 : i32
    %dma_wait3A_42 = arith.constant 0 : i32
    %dma_wait3A_43 = tpu.memref_slice %arg4[%add3A, %dma_wait3A_41, %dma_wait3A_42] : memref<32x80x128xi32, #tpu.memory_space<hbm>> -> memref<1x80x128xi32, #tpu.memory_space<hbm>>
    %dma_wait3A_44 = tpu.memref_squeeze %dma_wait3A_43 : memref<1x80x128xi32, #tpu.memory_space<hbm>> -> memref<80x128xi32, #tpu.memory_space<hbm>>
    tpu.wait_dma2 semaphore(%arg11 : memref<!tpu.dma_semaphore, #tpu.memory_space<semaphore_mem>>) src(%dma_wait3A_44 : memref<80x128xi32, #tpu.memory_space<hbm>>) dst(%arg8 : memref<80x128xi32, #tpu.memory_space<vmem>>)
    %barrier3A = arith.constant 0 : index
    tpu.barrier barrier_id(%barrier3A)
    %dma_start3A_45 = arith.constant 0 : i32
    %dma_start3A_46 = arith.constant 0 : i32
    %dma_start3A_47 = tpu.memref_slice %arg7[%dma_start3A_45, %dma_start3A_46] : memref<80x128xi32, #tpu.memory_space<vmem>> -> memref<1x128xi32, #tpu.memory_space<vmem>>
    %dma_start3A_48 = tpu.memref_squeeze %dma_start3A_47 : memref<1x128xi32, #tpu.memory_space<vmem>> -> memref<128xi32, #tpu.memory_space<vmem>>
    %dma_start3A_49 = arith.constant 0 : i32
    %dma_start3A_50 = arith.constant 0 : i32
    %dma_start3A_51 = tpu.memref_slice %arg13[%dma_start3A_49, %dma_start3A_50] : memref<10240x64xf32, #tpu.memory_space<vmem_shared>> -> memref<10240x64xf32, #tpu.memory_space<vmem_shared>>
    tpu.enqueue_indirect_dma source(%dma_start3A_51 : memref<10240x64xf32, #tpu.memory_space<vmem_shared>>) target(%arg9 : memref<128x64xf32, #tpu.memory_space<vmem>>) offsets(%dma_start3A_48 : memref<128xi32, #tpu.memory_space<vmem>>) semaphore(%arg11 : memref<!tpu.dma_semaphore, #tpu.memory_space<semaphore_mem>>)
    %dma_start3A_52 = arith.constant 1 : i32
    %dma_start3A_53 = arith.constant 0 : i32
    %dma_start3A_54 = tpu.memref_slice %arg7[%dma_start3A_52, %dma_start3A_53] : memref<80x128xi32, #tpu.memory_space<vmem>> -> memref<1x128xi32, #tpu.memory_space<vmem>>
    %dma_start3A_55 = tpu.memref_squeeze %dma_start3A_54 : memref<1x128xi32, #tpu.memory_space<vmem>> -> memref<128xi32, #tpu.memory_space<vmem>>
    %dma_start3A_56 = arith.constant 0 : i32
    %dma_start3A_57 = arith.constant 0 : i32
    %dma_start3A_58 = tpu.memref_slice %arg13[%dma_start3A_56, %dma_start3A_57] : memref<10240x64xf32, #tpu.memory_space<vmem_shared>> -> memref<10240x64xf32, #tpu.memory_space<vmem_shared>>
    tpu.enqueue_indirect_dma source(%dma_start3A_58 : memref<10240x64xf32, #tpu.memory_space<vmem_shared>>) target(%arg10 : memref<128x64xf32, #tpu.memory_space<vmem>>) offsets(%dma_start3A_55 : memref<128xi32, #tpu.memory_space<vmem>>) semaphore(%arg12 : memref<!tpu.dma_semaphore, #tpu.memory_space<semaphore_mem>>)
    %scan3A = arith.constant 0 : i32
    %scan3A_59 = arith.constant 0 : i32
    %scan3A_60 = arith.constant 39 : i32
    %scan3A_61 = arith.addi %scan3A_59, %scan3A_60 : i32
    %scan3A_62 = arith.constant 1 : i32
    scf.for %scan3A_78 = %scan3A_59 to %scan3A_61 step %scan3A_62  : i32 {
      %mul3A_79 = arith.constant 2 : i32
      %mul3A_80 = arith.muli %scan3A_78, %mul3A_79 : i32
      %add3A_81 = arith.constant 0 : i32
      %add3A_82 = arith.addi %mul3A_80, %add3A_81 : i32
      %dma_wait3A_83 = arith.constant 0 : i32
      %dma_wait3A_84 = arith.constant 0 : i32
      %dma_wait3A_85 = tpu.memref_slice %arg13[%dma_wait3A_83, %dma_wait3A_84] : memref<10240x64xf32, #tpu.memory_space<vmem_shared>> -> memref<128x64xf32, #tpu.memory_space<vmem_shared>>
      %dma_wait3A_86 = arith.constant 0 : i32
      %dma_wait3A_87 = arith.constant 0 : i32
      %dma_wait3A_88 = tpu.memref_slice %arg13[%dma_wait3A_86, %dma_wait3A_87] : memref<10240x64xf32, #tpu.memory_space<vmem_shared>> -> memref<128x64xf32, #tpu.memory_space<vmem_shared>>
      tpu.wait_dma2 semaphore(%arg11 : memref<!tpu.dma_semaphore, #tpu.memory_space<semaphore_mem>>) src(%dma_wait3A_88 : memref<128x64xf32, #tpu.memory_space<vmem_shared>>) dst(%arg9 : memref<128x64xf32, #tpu.memory_space<vmem>>)
      "tpu.region"() ({
        %run_scoped3A_115 = tpu.sem_alloc : memref<!tpu.dma_semaphore, #tpu.memory_space<semaphore_mem>>
        %dma_start3A_116 = arith.constant 0 : i32
        %dma_start3A_117 = tpu.memref_slice %arg8[%add3A_82, %dma_start3A_116] : memref<80x128xi32, #tpu.memory_space<vmem>> -> memref<1x128xi32, #tpu.memory_space<vmem>>
        %dma_start3A_118 = tpu.memref_squeeze %dma_start3A_117 : memref<1x128xi32, #tpu.memory_space<vmem>> -> memref<128xi32, #tpu.memory_space<vmem>>
        %dma_start3A_119 = arith.constant 0 : i32
        %dma_start3A_120 = arith.constant 0 : i32
        %dma_start3A_121 = tpu.memref_slice %arg14[%dma_start3A_119, %dma_start3A_120] : memref<10240x64xf32, #tpu.memory_space<vmem_shared>> -> memref<10240x64xf32, #tpu.memory_space<vmem_shared>>
        tpu.enqueue_indirect_dma source(%arg9 : memref<128x64xf32, #tpu.memory_space<vmem>>) target(%dma_start3A_121 : memref<10240x64xf32, #tpu.memory_space<vmem_shared>>) offsets(%dma_start3A_118 : memref<128xi32, #tpu.memory_space<vmem>>) semaphore(%run_scoped3A_115 : memref<!tpu.dma_semaphore, #tpu.memory_space<semaphore_mem>>) {add = true}
        %dma_wait3A_122 = arith.constant 0 : i32
        %dma_wait3A_123 = tpu.memref_slice %arg8[%add3A_82, %dma_wait3A_122] : memref<80x128xi32, #tpu.memory_space<vmem>> -> memref<1x128xi32, #tpu.memory_space<vmem>>
        %dma_wait3A_124 = tpu.memref_squeeze %dma_wait3A_123 : memref<1x128xi32, #tpu.memory_space<vmem>> -> memref<128xi32, #tpu.memory_space<vmem>>
        %dma_wait3A_125 = arith.constant 0 : i32
        %dma_wait3A_126 = arith.constant 0 : i32
        %dma_wait3A_127 = tpu.memref_slice %arg14[%dma_wait3A_125, %dma_wait3A_126] : memref<10240x64xf32, #tpu.memory_space<vmem_shared>> -> memref<10240x64xf32, #tpu.memory_space<vmem_shared>>
        tpu.wait_indirect_dma semaphore(%run_scoped3A_115 : memref<!tpu.dma_semaphore, #tpu.memory_space<semaphore_mem>>) src(%arg9 : memref<128x64xf32, #tpu.memory_space<vmem>>) dst(%dma_wait3A_127 : memref<10240x64xf32, #tpu.memory_space<vmem_shared>>)
        tpu.yield
      }) : () -> ()
      %add3A_89 = arith.constant 2 : i32
      %add3A_90 = arith.addi %add3A_82, %add3A_89 : i32
      %dma_start3A_91 = arith.constant 0 : i32
      %dma_start3A_92 = tpu.memref_slice %arg7[%add3A_90, %dma_start3A_91] : memref<80x128xi32, #tpu.memory_space<vmem>> -> memref<1x128xi32, #tpu.memory_space<vmem>>
      %dma_start3A_93 = tpu.memref_squeeze %dma_start3A_92 : memref<1x128xi32, #tpu.memory_space<vmem>> -> memref<128xi32, #tpu.memory_space<vmem>>
      %dma_start3A_94 = arith.constant 0 : i32
      %dma_start3A_95 = arith.constant 0 : i32
      %dma_start3A_96 = tpu.memref_slice %arg13[%dma_start3A_94, %dma_start3A_95] : memref<10240x64xf32, #tpu.memory_space<vmem_shared>> -> memref<10240x64xf32, #tpu.memory_space<vmem_shared>>
      tpu.enqueue_indirect_dma source(%dma_start3A_96 : memref<10240x64xf32, #tpu.memory_space<vmem_shared>>) target(%arg9 : memref<128x64xf32, #tpu.memory_space<vmem>>) offsets(%dma_start3A_93 : memref<128xi32, #tpu.memory_space<vmem>>) semaphore(%arg11 : memref<!tpu.dma_semaphore, #tpu.memory_space<semaphore_mem>>)
      %mul3A_97 = arith.constant 2 : i32
      %mul3A_98 = arith.muli %scan3A_78, %mul3A_97 : i32
      %add3A_99 = arith.constant 1 : i32
      %add3A_100 = arith.addi %mul3A_98, %add3A_99 : i32
      %dma_wait3A_101 = arith.constant 0 : i32
      %dma_wait3A_102 = arith.constant 0 : i32
      %dma_wait3A_103 = tpu.memref_slice %arg13[%dma_wait3A_101, %dma_wait3A_102] : memref<10240x64xf32, #tpu.memory_space<vmem_shared>> -> memref<128x64xf32, #tpu.memory_space<vmem_shared>>
      %dma_wait3A_104 = arith.constant 0 : i32
      %dma_wait3A_105 = arith.constant 0 : i32
      %dma_wait3A_106 = tpu.memref_slice %arg13[%dma_wait3A_104, %dma_wait3A_105] : memref<10240x64xf32, #tpu.memory_space<vmem_shared>> -> memref<128x64xf32, #tpu.memory_space<vmem_shared>>
      tpu.wait_dma2 semaphore(%arg12 : memref<!tpu.dma_semaphore, #tpu.memory_space<semaphore_mem>>) src(%dma_wait3A_106 : memref<128x64xf32, #tpu.memory_space<vmem_shared>>) dst(%arg10 : memref<128x64xf32, #tpu.memory_space<vmem>>)
      "tpu.region"() ({
        %run_scoped3A_115 = tpu.sem_alloc : memref<!tpu.dma_semaphore, #tpu.memory_space<semaphore_mem>>
        %dma_start3A_116 = arith.constant 0 : i32
        %dma_start3A_117 = tpu.memref_slice %arg8[%add3A_100, %dma_start3A_116] : memref<80x128xi32, #tpu.memory_space<vmem>> -> memref<1x128xi32, #tpu.memory_space<vmem>>
        %dma_start3A_118 = tpu.memref_squeeze %dma_start3A_117 : memref<1x128xi32, #tpu.memory_space<vmem>> -> memref<128xi32, #tpu.memory_space<vmem>>
        %dma_start3A_119 = arith.constant 0 : i32
        %dma_start3A_120 = arith.constant 0 : i32
        %dma_start3A_121 = tpu.memref_slice %arg14[%dma_start3A_119, %dma_start3A_120] : memref<10240x64xf32, #tpu.memory_space<vmem_shared>> -> memref<10240x64xf32, #tpu.memory_space<vmem_shared>>
        tpu.enqueue_indirect_dma source(%arg10 : memref<128x64xf32, #tpu.memory_space<vmem>>) target(%dma_start3A_121 : memref<10240x64xf32, #tpu.memory_space<vmem_shared>>) offsets(%dma_start3A_118 : memref<128xi32, #tpu.memory_space<vmem>>) semaphore(%run_scoped3A_115 : memref<!tpu.dma_semaphore, #tpu.memory_space<semaphore_mem>>) {add = true}
        %dma_wait3A_122 = arith.constant 0 : i32
        %dma_wait3A_123 = tpu.memref_slice %arg8[%add3A_100, %dma_wait3A_122] : memref<80x128xi32, #tpu.memory_space<vmem>> -> memref<1x128xi32, #tpu.memory_space<vmem>>
        %dma_wait3A_124 = tpu.memref_squeeze %dma_wait3A_123 : memref<1x128xi32, #tpu.memory_space<vmem>> -> memref<128xi32, #tpu.memory_space<vmem>>
        %dma_wait3A_125 = arith.constant 0 : i32
        %dma_wait3A_126 = arith.constant 0 : i32
        %dma_wait3A_127 = tpu.memref_slice %arg14[%dma_wait3A_125, %dma_wait3A_126] : memref<10240x64xf32, #tpu.memory_space<vmem_shared>> -> memref<10240x64xf32, #tpu.memory_space<vmem_shared>>
        tpu.wait_indirect_dma semaphore(%run_scoped3A_115 : memref<!tpu.dma_semaphore, #tpu.memory_space<semaphore_mem>>) src(%arg10 : memref<128x64xf32, #tpu.memory_space<vmem>>) dst(%dma_wait3A_127 : memref<10240x64xf32, #tpu.memory_space<vmem_shared>>)
        tpu.yield
      }) : () -> ()
      %add3A_107 = arith.constant 2 : i32
      %add3A_108 = arith.addi %add3A_100, %add3A_107 : i32
      %dma_start3A_109 = arith.constant 0 : i32
      %dma_start3A_110 = tpu.memref_slice %arg7[%add3A_108, %dma_start3A_109] : memref<80x128xi32, #tpu.memory_space<vmem>> -> memref<1x128xi32, #tpu.memory_space<vmem>>
      %dma_start3A_111 = tpu.memref_squeeze %dma_start3A_110 : memref<1x128xi32, #tpu.memory_space<vmem>> -> memref<128xi32, #tpu.memory_space<vmem>>
      %dma_start3A_112 = arith.constant 0 : i32
      %dma_start3A_113 = arith.constant 0 : i32
      %dma_start3A_114 = tpu.memref_slice %arg13[%dma_start3A_112, %dma_start3A_113] : memref<10240x64xf32, #tpu.memory_space<vmem_shared>> -> memref<10240x64xf32, #tpu.memory_space<vmem_shared>>
      tpu.enqueue_indirect_dma source(%dma_start3A_114 : memref<10240x64xf32, #tpu.memory_space<vmem_shared>>) target(%arg10 : memref<128x64xf32, #tpu.memory_space<vmem>>) offsets(%dma_start3A_111 : memref<128xi32, #tpu.memory_space<vmem>>) semaphore(%arg12 : memref<!tpu.dma_semaphore, #tpu.memory_space<semaphore_mem>>)
    }
    %scan3A_63 = arith.constant 39 : i32
    %dma_wait3A_64 = arith.constant 0 : i32
    %dma_wait3A_65 = arith.constant 0 : i32
    %dma_wait3A_66 = tpu.memref_slice %arg13[%dma_wait3A_64, %dma_wait3A_65] : memref<10240x64xf32, #tpu.memory_space<vmem_shared>> -> memref<128x64xf32, #tpu.memory_space<vmem_shared>>
    %dma_wait3A_67 = arith.constant 0 : i32
    %dma_wait3A_68 = arith.constant 0 : i32
    %dma_wait3A_69 = tpu.memref_slice %arg13[%dma_wait3A_67, %dma_wait3A_68] : memref<10240x64xf32, #tpu.memory_space<vmem_shared>> -> memref<128x64xf32, #tpu.memory_space<vmem_shared>>
    tpu.wait_dma2 semaphore(%arg11 : memref<!tpu.dma_semaphore, #tpu.memory_space<semaphore_mem>>) src(%dma_wait3A_69 : memref<128x64xf32, #tpu.memory_space<vmem_shared>>) dst(%arg9 : memref<128x64xf32, #tpu.memory_space<vmem>>)
    %run_scoped3A = arith.constant 78 : i32
    "tpu.region"() ({
      %run_scoped3A_78 = tpu.sem_alloc : memref<!tpu.dma_semaphore, #tpu.memory_space<semaphore_mem>>
      %dma_start3A_79 = arith.constant 0 : i32
      %dma_start3A_80 = tpu.memref_slice %arg8[%run_scoped3A, %dma_start3A_79] : memref<80x128xi32, #tpu.memory_space<vmem>> -> memref<1x128xi32, #tpu.memory_space<vmem>>
      %dma_start3A_81 = tpu.memref_squeeze %dma_start3A_80 : memref<1x128xi32, #tpu.memory_space<vmem>> -> memref<128xi32, #tpu.memory_space<vmem>>
      %dma_start3A_82 = arith.constant 0 : i32
      %dma_start3A_83 = arith.constant 0 : i32
      %dma_start3A_84 = tpu.memref_slice %arg14[%dma_start3A_82, %dma_start3A_83] : memref<10240x64xf32, #tpu.memory_space<vmem_shared>> -> memref<10240x64xf32, #tpu.memory_space<vmem_shared>>
      tpu.enqueue_indirect_dma source(%arg9 : memref<128x64xf32, #tpu.memory_space<vmem>>) target(%dma_start3A_84 : memref<10240x64xf32, #tpu.memory_space<vmem_shared>>) offsets(%dma_start3A_81 : memref<128xi32, #tpu.memory_space<vmem>>) semaphore(%run_scoped3A_78 : memref<!tpu.dma_semaphore, #tpu.memory_space<semaphore_mem>>) {add = true}
      %dma_wait3A_85 = arith.constant 0 : i32
      %dma_wait3A_86 = tpu.memref_slice %arg8[%run_scoped3A, %dma_wait3A_85] : memref<80x128xi32, #tpu.memory_space<vmem>> -> memref<1x128xi32, #tpu.memory_space<vmem>>
      %dma_wait3A_87 = tpu.memref_squeeze %dma_wait3A_86 : memref<1x128xi32, #tpu.memory_space<vmem>> -> memref<128xi32, #tpu.memory_space<vmem>>
      %dma_wait3A_88 = arith.constant 0 : i32
      %dma_wait3A_89 = arith.constant 0 : i32
      %dma_wait3A_90 = tpu.memref_slice %arg14[%dma_wait3A_88, %dma_wait3A_89] : memref<10240x64xf32, #tpu.memory_space<vmem_shared>> -> memref<10240x64xf32, #tpu.memory_space<vmem_shared>>
      tpu.wait_indirect_dma semaphore(%run_scoped3A_78 : memref<!tpu.dma_semaphore, #tpu.memory_space<semaphore_mem>>) src(%arg9 : memref<128x64xf32, #tpu.memory_space<vmem>>) dst(%dma_wait3A_90 : memref<10240x64xf32, #tpu.memory_space<vmem_shared>>)
      tpu.yield
    }) : () -> ()
    %dma_wait3A_70 = arith.constant 0 : i32
    %dma_wait3A_71 = arith.constant 0 : i32
    %dma_wait3A_72 = tpu.memref_slice %arg13[%dma_wait3A_70, %dma_wait3A_71] : memref<10240x64xf32, #tpu.memory_space<vmem_shared>> -> memref<128x64xf32, #tpu.memory_space<vmem_shared>>
    %dma_wait3A_73 = arith.constant 0 : i32
    %dma_wait3A_74 = arith.constant 0 : i32
    %dma_wait3A_75 = tpu.memref_slice %arg13[%dma_wait3A_73, %dma_wait3A_74] : memref<10240x64xf32, #tpu.memory_space<vmem_shared>> -> memref<128x64xf32, #tpu.memory_space<vmem_shared>>
    tpu.wait_dma2 semaphore(%arg12 : memref<!tpu.dma_semaphore, #tpu.memory_space<semaphore_mem>>) src(%dma_wait3A_75 : memref<128x64xf32, #tpu.memory_space<vmem_shared>>) dst(%arg10 : memref<128x64xf32, #tpu.memory_space<vmem>>)
    %run_scoped3A_76 = arith.constant 79 : i32
    "tpu.region"() ({
      %run_scoped3A_78 = tpu.sem_alloc : memref<!tpu.dma_semaphore, #tpu.memory_space<semaphore_mem>>
      %dma_start3A_79 = arith.constant 0 : i32
      %dma_start3A_80 = tpu.memref_slice %arg8[%run_scoped3A_76, %dma_start3A_79] : memref<80x128xi32, #tpu.memory_space<vmem>> -> memref<1x128xi32, #tpu.memory_space<vmem>>
      %dma_start3A_81 = tpu.memref_squeeze %dma_start3A_80 : memref<1x128xi32, #tpu.memory_space<vmem>> -> memref<128xi32, #tpu.memory_space<vmem>>
      %dma_start3A_82 = arith.constant 0 : i32
      %dma_start3A_83 = arith.constant 0 : i32
      %dma_start3A_84 = tpu.memref_slice %arg14[%dma_start3A_82, %dma_start3A_83] : memref<10240x64xf32, #tpu.memory_space<vmem_shared>> -> memref<10240x64xf32, #tpu.memory_space<vmem_shared>>
      tpu.enqueue_indirect_dma source(%arg10 : memref<128x64xf32, #tpu.memory_space<vmem>>) target(%dma_start3A_84 : memref<10240x64xf32, #tpu.memory_space<vmem_shared>>) offsets(%dma_start3A_81 : memref<128xi32, #tpu.memory_space<vmem>>) semaphore(%run_scoped3A_78 : memref<!tpu.dma_semaphore, #tpu.memory_space<semaphore_mem>>) {add = true}
      %dma_wait3A_85 = arith.constant 0 : i32
      %dma_wait3A_86 = tpu.memref_slice %arg8[%run_scoped3A_76, %dma_wait3A_85] : memref<80x128xi32, #tpu.memory_space<vmem>> -> memref<1x128xi32, #tpu.memory_space<vmem>>
      %dma_wait3A_87 = tpu.memref_squeeze %dma_wait3A_86 : memref<1x128xi32, #tpu.memory_space<vmem>> -> memref<128xi32, #tpu.memory_space<vmem>>
      %dma_wait3A_88 = arith.constant 0 : i32
      %dma_wait3A_89 = arith.constant 0 : i32
      %dma_wait3A_90 = tpu.memref_slice %arg14[%dma_wait3A_88, %dma_wait3A_89] : memref<10240x64xf32, #tpu.memory_space<vmem_shared>> -> memref<10240x64xf32, #tpu.memory_space<vmem_shared>>
      tpu.wait_indirect_dma semaphore(%run_scoped3A_78 : memref<!tpu.dma_semaphore, #tpu.memory_space<semaphore_mem>>) src(%arg10 : memref<128x64xf32, #tpu.memory_space<vmem>>) dst(%dma_wait3A_90 : memref<10240x64xf32, #tpu.memory_space<vmem_shared>>)
      tpu.yield
    }) : () -> ()
    %barrier3A_77 = arith.constant 0 : index
    tpu.barrier barrier_id(%barrier3A_77)
    "tpu.region"() ({
      %run_scoped3A_78 = tpu.sem_alloc : memref<!tpu.dma_semaphore, #tpu.memory_space<semaphore_mem>>
      %dma_start3A_79 = arith.constant 0 : i32
      %dma_start3A_80 = tpu.memref_slice %arg6[%arg0, %mul3A_2, %dma_start3A_79] : memref<2x10240x64xf32, #tpu.memory_space<hbm>> -> memref<1x640x64xf32, #tpu.memory_space<hbm>>
      %dma_start3A_81 = tpu.memref_squeeze %dma_start3A_80 : memref<1x640x64xf32, #tpu.memory_space<hbm>> -> memref<640x64xf32, #tpu.memory_space<hbm>>
      %dma_start3A_82 = arith.constant 0 : i32
      %dma_start3A_83 = tpu.memref_slice %arg14[%mul3A_2, %dma_start3A_82] : memref<10240x64xf32, #tpu.memory_space<vmem_shared>> -> memref<640x64xf32, #tpu.memory_space<vmem_shared>>
      tpu.enqueue_dma source(%dma_start3A_83 : memref<640x64xf32, #tpu.memory_space<vmem_shared>>) target(%dma_start3A_81 : memref<640x64xf32, #tpu.memory_space<hbm>>) target_semaphore(%run_scoped3A_78 : memref<!tpu.dma_semaphore, #tpu.memory_space<semaphore_mem>>)
      %dma_wait3A_84 = arith.constant 0 : i32
      %dma_wait3A_85 = tpu.memref_slice %arg6[%arg0, %mul3A_2, %dma_wait3A_84] : memref<2x10240x64xf32, #tpu.memory_space<hbm>> -> memref<1x640x64xf32, #tpu.memory_space<hbm>>
      %dma_wait3A_86 = tpu.memref_squeeze %dma_wait3A_85 : memref<1x640x64xf32, #tpu.memory_space<hbm>> -> memref<640x64xf32, #tpu.memory_space<hbm>>
      %dma_wait3A_87 = arith.constant 0 : i32
      %dma_wait3A_88 = tpu.memref_slice %arg14[%mul3A_2, %dma_wait3A_87] : memref<10240x64xf32, #tpu.memory_space<vmem_shared>> -> memref<640x64xf32, #tpu.memory_space<vmem_shared>>
      tpu.wait_dma2 semaphore(%run_scoped3A_78 : memref<!tpu.dma_semaphore, #tpu.memory_space<semaphore_mem>>) src(%dma_wait3A_88 : memref<640x64xf32, #tpu.memory_space<vmem_shared>>) dst(%dma_wait3A_86 : memref<640x64xf32, #tpu.memory_space<hbm>>)
      tpu.yield
    }) : () -> ()
    return
  }
}

#map = affine_map<(d0, d1) -> (0, 0, 0)>
module attributes {stable_mosaic.version = 14 : i64} {
  func.func @_deg_body(%arg0: i32, %arg1: i32, %arg2: memref<32x80x128xi32, #tpu.memory_space<hbm>>, %arg3: memref<2x10240x16xf32, #tpu.memory_space<hbm>>, %arg4: memref<80x128xi32, #tpu.memory_space<vmem>>, %arg5: memref<128x16xf32, #tpu.memory_space<vmem>>, %arg6: memref<128x16xf32, #tpu.memory_space<vmem>>, %arg7: memref<10240x16xf32, #tpu.memory_space<vmem_shared>>) attributes {dimension_semantics = [#tpu.dimension_semantics<core_parallel>, #tpu.dimension_semantics<subcore_parallel>], iteration_bounds = array<i64: 2, 16>, scalar_prefetch = 0 : i64, scratch_operands = 4 : i64, tpu.core_type = #tpu.core_type<sc_vector_subcore>, window_params = [{transform_indices = #map}, {transform_indices = #map}]} {
    %mul3A = arith.constant 16 : i32
    %mul3A_0 = arith.muli %arg0, %mul3A : i32
    %add3A = arith.addi %mul3A_0, %arg1 : i32
    %scan3A = arith.constant 0 : i32
    %scan3A_1 = arith.constant 0 : i32
    %scan3A_2 = arith.constant 128 : i32
    %scan3A_3 = arith.addi %scan3A_1, %scan3A_2 : i32
    %scan3A_4 = arith.constant 1 : i32
    scf.for %scan3A_53 = %scan3A_1 to %scan3A_3 step %scan3A_4  : i32 {
      %broadcast_in_dim3A = arith.constant 1.000000e+00 : f32
      %broadcast_in_dim3A_54 = vector.broadcast %broadcast_in_dim3A : f32 to vector<16xf32>
      %swap3A = arith.index_cast %scan3A_53 : i32 to index
      %swap3A_55 = arith.constant 0 : index
      %swap3A_56 = tpu.vector_load %arg5[%swap3A, %swap3A_55] {strides = array<i32>} : memref<128x16xf32, #tpu.memory_space<vmem>>, vector<1x16xf32>,
      %swap3A_57 = vector.shape_cast %swap3A_56 : vector<1x16xf32> to vector<16xf32>
      %swap3A_58 = vector.shape_cast %broadcast_in_dim3A_54 : vector<16xf32> to vector<1x16xf32>
      tpu.vector_store %arg5[%swap3A, %swap3A_55], %swap3A_58 {strides = array<i32>} : memref<128x16xf32, #tpu.memory_space<vmem>>, vector<1x16xf32>,
      %broadcast_in_dim3A_59 = arith.constant 0.000000e+00 : f32
      %broadcast_in_dim3A_60 = vector.broadcast %broadcast_in_dim3A_59 : f32 to vector<16xf32>
      %swap3A_61 = arith.index_cast %scan3A_53 : i32 to index
      %swap3A_62 = arith.constant 0 : index
      %swap3A_63 = tpu.vector_load %arg6[%swap3A_61, %swap3A_62] {strides = array<i32>} : memref<128x16xf32, #tpu.memory_space<vmem>>, vector<1x16xf32>,
      %swap3A_64 = vector.shape_cast %swap3A_63 : vector<1x16xf32> to vector<16xf32>
      %swap3A_65 = vector.shape_cast %broadcast_in_dim3A_60 : vector<16xf32> to vector<1x16xf32>
      tpu.vector_store %arg6[%swap3A_61, %swap3A_62], %swap3A_65 {strides = array<i32>} : memref<128x16xf32, #tpu.memory_space<vmem>>, vector<1x16xf32>,
    }
    %scan3A_5 = arith.constant 128 : i32
    %mul3A_6 = arith.constant 640 : i32
    %mul3A_7 = arith.muli %arg1, %mul3A_6 : i32
    %add3A_8 = arith.constant 0 : i32
    %add3A_9 = arith.addi %mul3A_7, %add3A_8 : i32
    "tpu.region"() ({
      %run_scoped3A = tpu.sem_alloc : memref<!tpu.dma_semaphore, #tpu.memory_space<semaphore_mem>>
      %dma_start3A = arith.constant 0 : i32
      %dma_start3A_53 = tpu.memref_slice %arg7[%add3A_9, %dma_start3A] : memref<10240x16xf32, #tpu.memory_space<vmem_shared>> -> memref<128x16xf32, #tpu.memory_space<vmem_shared>>
      %dma_start3A_54 = arith.constant 0 : i32
      %dma_start3A_55 = tpu.memref_slice %arg7[%add3A_9, %dma_start3A_54] : memref<10240x16xf32, #tpu.memory_space<vmem_shared>> -> memref<128x16xf32, #tpu.memory_space<vmem_shared>>
      tpu.enqueue_dma source(%arg6 : memref<128x16xf32, #tpu.memory_space<vmem>>) target(%dma_start3A_55 : memref<128x16xf32, #tpu.memory_space<vmem_shared>>) target_semaphore(%run_scoped3A : memref<!tpu.dma_semaphore, #tpu.memory_space<semaphore_mem>>)
      %dma_wait3A = arith.constant 0 : i32
      %dma_wait3A_56 = tpu.memref_slice %arg7[%add3A_9, %dma_wait3A] : memref<10240x16xf32, #tpu.memory_space<vmem_shared>> -> memref<128x16xf32, #tpu.memory_space<vmem_shared>>
      %dma_wait3A_57 = arith.constant 0 : i32
      %dma_wait3A_58 = tpu.memref_slice %arg7[%add3A_9, %dma_wait3A_57] : memref<10240x16xf32, #tpu.memory_space<vmem_shared>> -> memref<128x16xf32, #tpu.memory_space<vmem_shared>>
      tpu.wait_dma2 semaphore(%run_scoped3A : memref<!tpu.dma_semaphore, #tpu.memory_space<semaphore_mem>>) src(%arg6 : memref<128x16xf32, #tpu.memory_space<vmem>>) dst(%dma_wait3A_58 : memref<128x16xf32, #tpu.memory_space<vmem_shared>>)
      tpu.yield
    }) : () -> ()
    %mul3A_10 = arith.constant 640 : i32
    %mul3A_11 = arith.muli %arg1, %mul3A_10 : i32
    %add3A_12 = arith.constant 128 : i32
    %add3A_13 = arith.addi %mul3A_11, %add3A_12 : i32
    "tpu.region"() ({
      %run_scoped3A = tpu.sem_alloc : memref<!tpu.dma_semaphore, #tpu.memory_space<semaphore_mem>>
      %dma_start3A = arith.constant 0 : i32
      %dma_start3A_53 = tpu.memref_slice %arg7[%add3A_13, %dma_start3A] : memref<10240x16xf32, #tpu.memory_space<vmem_shared>> -> memref<128x16xf32, #tpu.memory_space<vmem_shared>>
      %dma_start3A_54 = arith.constant 0 : i32
      %dma_start3A_55 = tpu.memref_slice %arg7[%add3A_13, %dma_start3A_54] : memref<10240x16xf32, #tpu.memory_space<vmem_shared>> -> memref<128x16xf32, #tpu.memory_space<vmem_shared>>
      tpu.enqueue_dma source(%arg6 : memref<128x16xf32, #tpu.memory_space<vmem>>) target(%dma_start3A_55 : memref<128x16xf32, #tpu.memory_space<vmem_shared>>) target_semaphore(%run_scoped3A : memref<!tpu.dma_semaphore, #tpu.memory_space<semaphore_mem>>)
      %dma_wait3A = arith.constant 0 : i32
      %dma_wait3A_56 = tpu.memref_slice %arg7[%add3A_13, %dma_wait3A] : memref<10240x16xf32, #tpu.memory_space<vmem_shared>> -> memref<128x16xf32, #tpu.memory_space<vmem_shared>>
      %dma_wait3A_57 = arith.constant 0 : i32
      %dma_wait3A_58 = tpu.memref_slice %arg7[%add3A_13, %dma_wait3A_57] : memref<10240x16xf32, #tpu.memory_space<vmem_shared>> -> memref<128x16xf32, #tpu.memory_space<vmem_shared>>
      tpu.wait_dma2 semaphore(%run_scoped3A : memref<!tpu.dma_semaphore, #tpu.memory_space<semaphore_mem>>) src(%arg6 : memref<128x16xf32, #tpu.memory_space<vmem>>) dst(%dma_wait3A_58 : memref<128x16xf32, #tpu.memory_space<vmem_shared>>)
      tpu.yield
    }) : () -> ()
    %mul3A_14 = arith.constant 640 : i32
    %mul3A_15 = arith.muli %arg1, %mul3A_14 : i32
    %add3A_16 = arith.constant 256 : i32
    %add3A_17 = arith.addi %mul3A_15, %add3A_16 : i32
    "tpu.region"() ({
      %run_scoped3A = tpu.sem_alloc : memref<!tpu.dma_semaphore, #tpu.memory_space<semaphore_mem>>
      %dma_start3A = arith.constant 0 : i32
      %dma_start3A_53 = tpu.memref_slice %arg7[%add3A_17, %dma_start3A] : memref<10240x16xf32, #tpu.memory_space<vmem_shared>> -> memref<128x16xf32, #tpu.memory_space<vmem_shared>>
      %dma_start3A_54 = arith.constant 0 : i32
      %dma_start3A_55 = tpu.memref_slice %arg7[%add3A_17, %dma_start3A_54] : memref<10240x16xf32, #tpu.memory_space<vmem_shared>> -> memref<128x16xf32, #tpu.memory_space<vmem_shared>>
      tpu.enqueue_dma source(%arg6 : memref<128x16xf32, #tpu.memory_space<vmem>>) target(%dma_start3A_55 : memref<128x16xf32, #tpu.memory_space<vmem_shared>>) target_semaphore(%run_scoped3A : memref<!tpu.dma_semaphore, #tpu.memory_space<semaphore_mem>>)
      %dma_wait3A = arith.constant 0 : i32
      %dma_wait3A_56 = tpu.memref_slice %arg7[%add3A_17, %dma_wait3A] : memref<10240x16xf32, #tpu.memory_space<vmem_shared>> -> memref<128x16xf32, #tpu.memory_space<vmem_shared>>
      %dma_wait3A_57 = arith.constant 0 : i32
      %dma_wait3A_58 = tpu.memref_slice %arg7[%add3A_17, %dma_wait3A_57] : memref<10240x16xf32, #tpu.memory_space<vmem_shared>> -> memref<128x16xf32, #tpu.memory_space<vmem_shared>>
      tpu.wait_dma2 semaphore(%run_scoped3A : memref<!tpu.dma_semaphore, #tpu.memory_space<semaphore_mem>>) src(%arg6 : memref<128x16xf32, #tpu.memory_space<vmem>>) dst(%dma_wait3A_58 : memref<128x16xf32, #tpu.memory_space<vmem_shared>>)
      tpu.yield
    }) : () -> ()
    %mul3A_18 = arith.constant 640 : i32
    %mul3A_19 = arith.muli %arg1, %mul3A_18 : i32
    %add3A_20 = arith.constant 384 : i32
    %add3A_21 = arith.addi %mul3A_19, %add3A_20 : i32
    "tpu.region"() ({
      %run_scoped3A = tpu.sem_alloc : memref<!tpu.dma_semaphore, #tpu.memory_space<semaphore_mem>>
      %dma_start3A = arith.constant 0 : i32
      %dma_start3A_53 = tpu.memref_slice %arg7[%add3A_21, %dma_start3A] : memref<10240x16xf32, #tpu.memory_space<vmem_shared>> -> memref<128x16xf32, #tpu.memory_space<vmem_shared>>
      %dma_start3A_54 = arith.constant 0 : i32
      %dma_start3A_55 = tpu.memref_slice %arg7[%add3A_21, %dma_start3A_54] : memref<10240x16xf32, #tpu.memory_space<vmem_shared>> -> memref<128x16xf32, #tpu.memory_space<vmem_shared>>
      tpu.enqueue_dma source(%arg6 : memref<128x16xf32, #tpu.memory_space<vmem>>) target(%dma_start3A_55 : memref<128x16xf32, #tpu.memory_space<vmem_shared>>) target_semaphore(%run_scoped3A : memref<!tpu.dma_semaphore, #tpu.memory_space<semaphore_mem>>)
      %dma_wait3A = arith.constant 0 : i32
      %dma_wait3A_56 = tpu.memref_slice %arg7[%add3A_21, %dma_wait3A] : memref<10240x16xf32, #tpu.memory_space<vmem_shared>> -> memref<128x16xf32, #tpu.memory_space<vmem_shared>>
      %dma_wait3A_57 = arith.constant 0 : i32
      %dma_wait3A_58 = tpu.memref_slice %arg7[%add3A_21, %dma_wait3A_57] : memref<10240x16xf32, #tpu.memory_space<vmem_shared>> -> memref<128x16xf32, #tpu.memory_space<vmem_shared>>
      tpu.wait_dma2 semaphore(%run_scoped3A : memref<!tpu.dma_semaphore, #tpu.memory_space<semaphore_mem>>) src(%arg6 : memref<128x16xf32, #tpu.memory_space<vmem>>) dst(%dma_wait3A_58 : memref<128x16xf32, #tpu.memory_space<vmem_shared>>)
      tpu.yield
    }) : () -> ()
    %mul3A_22 = arith.constant 640 : i32
    %mul3A_23 = arith.muli %arg1, %mul3A_22 : i32
    %add3A_24 = arith.constant 512 : i32
    %add3A_25 = arith.addi %mul3A_23, %add3A_24 : i32
    "tpu.region"() ({
      %run_scoped3A = tpu.sem_alloc : memref<!tpu.dma_semaphore, #tpu.memory_space<semaphore_mem>>
      %dma_start3A = arith.constant 0 : i32
      %dma_start3A_53 = tpu.memref_slice %arg7[%add3A_25, %dma_start3A] : memref<10240x16xf32, #tpu.memory_space<vmem_shared>> -> memref<128x16xf32, #tpu.memory_space<vmem_shared>>
      %dma_start3A_54 = arith.constant 0 : i32
      %dma_start3A_55 = tpu.memref_slice %arg7[%add3A_25, %dma_start3A_54] : memref<10240x16xf32, #tpu.memory_space<vmem_shared>> -> memref<128x16xf32, #tpu.memory_space<vmem_shared>>
      tpu.enqueue_dma source(%arg6 : memref<128x16xf32, #tpu.memory_space<vmem>>) target(%dma_start3A_55 : memref<128x16xf32, #tpu.memory_space<vmem_shared>>) target_semaphore(%run_scoped3A : memref<!tpu.dma_semaphore, #tpu.memory_space<semaphore_mem>>)
      %dma_wait3A = arith.constant 0 : i32
      %dma_wait3A_56 = tpu.memref_slice %arg7[%add3A_25, %dma_wait3A] : memref<10240x16xf32, #tpu.memory_space<vmem_shared>> -> memref<128x16xf32, #tpu.memory_space<vmem_shared>>
      %dma_wait3A_57 = arith.constant 0 : i32
      %dma_wait3A_58 = tpu.memref_slice %arg7[%add3A_25, %dma_wait3A_57] : memref<10240x16xf32, #tpu.memory_space<vmem_shared>> -> memref<128x16xf32, #tpu.memory_space<vmem_shared>>
      tpu.wait_dma2 semaphore(%run_scoped3A : memref<!tpu.dma_semaphore, #tpu.memory_space<semaphore_mem>>) src(%arg6 : memref<128x16xf32, #tpu.memory_space<vmem>>) dst(%dma_wait3A_58 : memref<128x16xf32, #tpu.memory_space<vmem_shared>>)
      tpu.yield
    }) : () -> ()
    %barrier3A = arith.constant 0 : index
    tpu.barrier barrier_id(%barrier3A)
    "tpu.region"() ({
      %run_scoped3A = tpu.sem_alloc : memref<!tpu.dma_semaphore, #tpu.memory_space<semaphore_mem>>
      %dma_start3A = arith.constant 0 : i32
      %dma_start3A_53 = arith.constant 0 : i32
      %dma_start3A_54 = tpu.memref_slice %arg2[%add3A, %dma_start3A, %dma_start3A_53] : memref<32x80x128xi32, #tpu.memory_space<hbm>> -> memref<1x80x128xi32, #tpu.memory_space<hbm>>
      %dma_start3A_55 = tpu.memref_squeeze %dma_start3A_54 : memref<1x80x128xi32, #tpu.memory_space<hbm>> -> memref<80x128xi32, #tpu.memory_space<hbm>>
      %dma_start3A_56 = arith.constant 0 : i32
      %dma_start3A_57 = arith.constant 0 : i32
      %dma_start3A_58 = tpu.memref_slice %arg2[%add3A, %dma_start3A_56, %dma_start3A_57] : memref<32x80x128xi32, #tpu.memory_space<hbm>> -> memref<1x80x128xi32, #tpu.memory_space<hbm>>
      %dma_start3A_59 = tpu.memref_squeeze %dma_start3A_58 : memref<1x80x128xi32, #tpu.memory_space<hbm>> -> memref<80x128xi32, #tpu.memory_space<hbm>>
      tpu.enqueue_dma source(%dma_start3A_59 : memref<80x128xi32, #tpu.memory_space<hbm>>) target(%arg4 : memref<80x128xi32, #tpu.memory_space<vmem>>) target_semaphore(%run_scoped3A : memref<!tpu.dma_semaphore, #tpu.memory_space<semaphore_mem>>)
      %dma_wait3A = arith.constant 0 : i32
      %dma_wait3A_60 = arith.constant 0 : i32
      %dma_wait3A_61 = tpu.memref_slice %arg2[%add3A, %dma_wait3A, %dma_wait3A_60] : memref<32x80x128xi32, #tpu.memory_space<hbm>> -> memref<1x80x128xi32, #tpu.memory_space<hbm>>
      %dma_wait3A_62 = tpu.memref_squeeze %dma_wait3A_61 : memref<1x80x128xi32, #tpu.memory_space<hbm>> -> memref<80x128xi32, #tpu.memory_space<hbm>>
      %dma_wait3A_63 = arith.constant 0 : i32
      %dma_wait3A_64 = arith.constant 0 : i32
      %dma_wait3A_65 = tpu.memref_slice %arg2[%add3A, %dma_wait3A_63, %dma_wait3A_64] : memref<32x80x128xi32, #tpu.memory_space<hbm>> -> memref<1x80x128xi32, #tpu.memory_space<hbm>>
      %dma_wait3A_66 = tpu.memref_squeeze %dma_wait3A_65 : memref<1x80x128xi32, #tpu.memory_space<hbm>> -> memref<80x128xi32, #tpu.memory_space<hbm>>
      tpu.wait_dma2 semaphore(%run_scoped3A : memref<!tpu.dma_semaphore, #tpu.memory_space<semaphore_mem>>) src(%dma_wait3A_66 : memref<80x128xi32, #tpu.memory_space<hbm>>) dst(%arg4 : memref<80x128xi32, #tpu.memory_space<vmem>>)
      tpu.yield
    }) : () -> ()
    %scan3A_26 = arith.constant 0 : i32
    %scan3A_27 = arith.constant 0 : i32
    %scan3A_28 = arith.constant 80 : i32
    %scan3A_29 = arith.addi %scan3A_27, %scan3A_28 : i32
    %scan3A_30 = arith.constant 1 : i32
    scf.for %scan3A_53 = %scan3A_27 to %scan3A_29 step %scan3A_30  : i32 {
      "tpu.region"() ({
        %run_scoped3A = tpu.sem_alloc : memref<!tpu.dma_semaphore, #tpu.memory_space<semaphore_mem>>
        %dma_start3A = arith.constant 0 : i32
        %dma_start3A_54 = tpu.memref_slice %arg4[%scan3A_53, %dma_start3A] : memref<80x128xi32, #tpu.memory_space<vmem>> -> memref<1x128xi32, #tpu.memory_space<vmem>>
        %dma_start3A_55 = tpu.memref_squeeze %dma_start3A_54 : memref<1x128xi32, #tpu.memory_space<vmem>> -> memref<128xi32, #tpu.memory_space<vmem>>
        %dma_start3A_56 = arith.constant 0 : i32
        %dma_start3A_57 = arith.constant 0 : i32
        %dma_start3A_58 = tpu.memref_slice %arg7[%dma_start3A_56, %dma_start3A_57] : memref<10240x16xf32, #tpu.memory_space<vmem_shared>> -> memref<10240x16xf32, #tpu.memory_space<vmem_shared>>
        tpu.enqueue_indirect_dma source(%arg5 : memref<128x16xf32, #tpu.memory_space<vmem>>) target(%dma_start3A_58 : memref<10240x16xf32, #tpu.memory_space<vmem_shared>>) offsets(%dma_start3A_55 : memref<128xi32, #tpu.memory_space<vmem>>) semaphore(%run_scoped3A : memref<!tpu.dma_semaphore, #tpu.memory_space<semaphore_mem>>) {add = true}
        %dma_wait3A = arith.constant 0 : i32
        %dma_wait3A_59 = tpu.memref_slice %arg4[%scan3A_53, %dma_wait3A] : memref<80x128xi32, #tpu.memory_space<vmem>> -> memref<1x128xi32, #tpu.memory_space<vmem>>
        %dma_wait3A_60 = tpu.memref_squeeze %dma_wait3A_59 : memref<1x128xi32, #tpu.memory_space<vmem>> -> memref<128xi32, #tpu.memory_space<vmem>>
        %dma_wait3A_61 = arith.constant 0 : i32
        %dma_wait3A_62 = arith.constant 0 : i32
        %dma_wait3A_63 = tpu.memref_slice %arg7[%dma_wait3A_61, %dma_wait3A_62] : memref<10240x16xf32, #tpu.memory_space<vmem_shared>> -> memref<10240x16xf32, #tpu.memory_space<vmem_shared>>
        tpu.wait_indirect_dma semaphore(%run_scoped3A : memref<!tpu.dma_semaphore, #tpu.memory_space<semaphore_mem>>) src(%arg5 : memref<128x16xf32, #tpu.memory_space<vmem>>) dst(%dma_wait3A_63 : memref<10240x16xf32, #tpu.memory_space<vmem_shared>>)
        tpu.yield
      }) : () -> ()
    }
    %scan3A_31 = arith.constant 80 : i32
    %barrier3A_32 = arith.constant 0 : index
    tpu.barrier barrier_id(%barrier3A_32)
    %mul3A_33 = arith.constant 640 : i32
    %mul3A_34 = arith.muli %arg1, %mul3A_33 : i32
    %add3A_35 = arith.constant 0 : i32
    %add3A_36 = arith.addi %mul3A_34, %add3A_35 : i32
    "tpu.region"() ({
      %run_scoped3A = tpu.sem_alloc : memref<!tpu.dma_semaphore, #tpu.memory_space<semaphore_mem>>
      %dma_start3A = arith.constant 0 : i32
      %dma_start3A_53 = tpu.memref_slice %arg3[%arg0, %add3A_36, %dma_start3A] : memref<2x10240x16xf32, #tpu.memory_space<hbm>> -> memref<1x128x16xf32, #tpu.memory_space<hbm>>
      %dma_start3A_54 = tpu.memref_squeeze %dma_start3A_53 : memref<1x128x16xf32, #tpu.memory_space<hbm>> -> memref<128x16xf32, #tpu.memory_space<hbm>>
      %dma_start3A_55 = arith.constant 0 : i32
      %dma_start3A_56 = tpu.memref_slice %arg7[%add3A_36, %dma_start3A_55] : memref<10240x16xf32, #tpu.memory_space<vmem_shared>> -> memref<128x16xf32, #tpu.memory_space<vmem_shared>>
      tpu.enqueue_dma source(%dma_start3A_56 : memref<128x16xf32, #tpu.memory_space<vmem_shared>>) target(%dma_start3A_54 : memref<128x16xf32, #tpu.memory_space<hbm>>) target_semaphore(%run_scoped3A : memref<!tpu.dma_semaphore, #tpu.memory_space<semaphore_mem>>)
      %dma_wait3A = arith.constant 0 : i32
      %dma_wait3A_57 = tpu.memref_slice %arg3[%arg0, %add3A_36, %dma_wait3A] : memref<2x10240x16xf32, #tpu.memory_space<hbm>> -> memref<1x128x16xf32, #tpu.memory_space<hbm>>
      %dma_wait3A_58 = tpu.memref_squeeze %dma_wait3A_57 : memref<1x128x16xf32, #tpu.memory_space<hbm>> -> memref<128x16xf32, #tpu.memory_space<hbm>>
      %dma_wait3A_59 = arith.constant 0 : i32
      %dma_wait3A_60 = tpu.memref_slice %arg7[%add3A_36, %dma_wait3A_59] : memref<10240x16xf32, #tpu.memory_space<vmem_shared>> -> memref<128x16xf32, #tpu.memory_space<vmem_shared>>
      tpu.wait_dma2 semaphore(%run_scoped3A : memref<!tpu.dma_semaphore, #tpu.memory_space<semaphore_mem>>) src(%dma_wait3A_60 : memref<128x16xf32, #tpu.memory_space<vmem_shared>>) dst(%dma_wait3A_58 : memref<128x16xf32, #tpu.memory_space<hbm>>)
      tpu.yield
    }) : () -> ()
    %mul3A_37 = arith.constant 640 : i32
    %mul3A_38 = arith.muli %arg1, %mul3A_37 : i32
    %add3A_39 = arith.constant 128 : i32
    %add3A_40 = arith.addi %mul3A_38, %add3A_39 : i32
    "tpu.region"() ({
      %run_scoped3A = tpu.sem_alloc : memref<!tpu.dma_semaphore, #tpu.memory_space<semaphore_mem>>
      %dma_start3A = arith.constant 0 : i32
      %dma_start3A_53 = tpu.memref_slice %arg3[%arg0, %add3A_40, %dma_start3A] : memref<2x10240x16xf32, #tpu.memory_space<hbm>> -> memref<1x128x16xf32, #tpu.memory_space<hbm>>
      %dma_start3A_54 = tpu.memref_squeeze %dma_start3A_53 : memref<1x128x16xf32, #tpu.memory_space<hbm>> -> memref<128x16xf32, #tpu.memory_space<hbm>>
      %dma_start3A_55 = arith.constant 0 : i32
      %dma_start3A_56 = tpu.memref_slice %arg7[%add3A_40, %dma_start3A_55] : memref<10240x16xf32, #tpu.memory_space<vmem_shared>> -> memref<128x16xf32, #tpu.memory_space<vmem_shared>>
      tpu.enqueue_dma source(%dma_start3A_56 : memref<128x16xf32, #tpu.memory_space<vmem_shared>>) target(%dma_start3A_54 : memref<128x16xf32, #tpu.memory_space<hbm>>) target_semaphore(%run_scoped3A : memref<!tpu.dma_semaphore, #tpu.memory_space<semaphore_mem>>)
      %dma_wait3A = arith.constant 0 : i32
      %dma_wait3A_57 = tpu.memref_slice %arg3[%arg0, %add3A_40, %dma_wait3A] : memref<2x10240x16xf32, #tpu.memory_space<hbm>> -> memref<1x128x16xf32, #tpu.memory_space<hbm>>
      %dma_wait3A_58 = tpu.memref_squeeze %dma_wait3A_57 : memref<1x128x16xf32, #tpu.memory_space<hbm>> -> memref<128x16xf32, #tpu.memory_space<hbm>>
      %dma_wait3A_59 = arith.constant 0 : i32
      %dma_wait3A_60 = tpu.memref_slice %arg7[%add3A_40, %dma_wait3A_59] : memref<10240x16xf32, #tpu.memory_space<vmem_shared>> -> memref<128x16xf32, #tpu.memory_space<vmem_shared>>
      tpu.wait_dma2 semaphore(%run_scoped3A : memref<!tpu.dma_semaphore, #tpu.memory_space<semaphore_mem>>) src(%dma_wait3A_60 : memref<128x16xf32, #tpu.memory_space<vmem_shared>>) dst(%dma_wait3A_58 : memref<128x16xf32, #tpu.memory_space<hbm>>)
      tpu.yield
    }) : () -> ()
    %mul3A_41 = arith.constant 640 : i32
    %mul3A_42 = arith.muli %arg1, %mul3A_41 : i32
    %add3A_43 = arith.constant 256 : i32
    %add3A_44 = arith.addi %mul3A_42, %add3A_43 : i32
    "tpu.region"() ({
      %run_scoped3A = tpu.sem_alloc : memref<!tpu.dma_semaphore, #tpu.memory_space<semaphore_mem>>
      %dma_start3A = arith.constant 0 : i32
      %dma_start3A_53 = tpu.memref_slice %arg3[%arg0, %add3A_44, %dma_start3A] : memref<2x10240x16xf32, #tpu.memory_space<hbm>> -> memref<1x128x16xf32, #tpu.memory_space<hbm>>
      %dma_start3A_54 = tpu.memref_squeeze %dma_start3A_53 : memref<1x128x16xf32, #tpu.memory_space<hbm>> -> memref<128x16xf32, #tpu.memory_space<hbm>>
      %dma_start3A_55 = arith.constant 0 : i32
      %dma_start3A_56 = tpu.memref_slice %arg7[%add3A_44, %dma_start3A_55] : memref<10240x16xf32, #tpu.memory_space<vmem_shared>> -> memref<128x16xf32, #tpu.memory_space<vmem_shared>>
      tpu.enqueue_dma source(%dma_start3A_56 : memref<128x16xf32, #tpu.memory_space<vmem_shared>>) target(%dma_start3A_54 : memref<128x16xf32, #tpu.memory_space<hbm>>) target_semaphore(%run_scoped3A : memref<!tpu.dma_semaphore, #tpu.memory_space<semaphore_mem>>)
      %dma_wait3A = arith.constant 0 : i32
      %dma_wait3A_57 = tpu.memref_slice %arg3[%arg0, %add3A_44, %dma_wait3A] : memref<2x10240x16xf32, #tpu.memory_space<hbm>> -> memref<1x128x16xf32, #tpu.memory_space<hbm>>
      %dma_wait3A_58 = tpu.memref_squeeze %dma_wait3A_57 : memref<1x128x16xf32, #tpu.memory_space<hbm>> -> memref<128x16xf32, #tpu.memory_space<hbm>>
      %dma_wait3A_59 = arith.constant 0 : i32
      %dma_wait3A_60 = tpu.memref_slice %arg7[%add3A_44, %dma_wait3A_59] : memref<10240x16xf32, #tpu.memory_space<vmem_shared>> -> memref<128x16xf32, #tpu.memory_space<vmem_shared>>
      tpu.wait_dma2 semaphore(%run_scoped3A : memref<!tpu.dma_semaphore, #tpu.memory_space<semaphore_mem>>) src(%dma_wait3A_60 : memref<128x16xf32, #tpu.memory_space<vmem_shared>>) dst(%dma_wait3A_58 : memref<128x16xf32, #tpu.memory_space<hbm>>)
      tpu.yield
    }) : () -> ()
    %mul3A_45 = arith.constant 640 : i32
    %mul3A_46 = arith.muli %arg1, %mul3A_45 : i32
    %add3A_47 = arith.constant 384 : i32
    %add3A_48 = arith.addi %mul3A_46, %add3A_47 : i32
    "tpu.region"() ({
      %run_scoped3A = tpu.sem_alloc : memref<!tpu.dma_semaphore, #tpu.memory_space<semaphore_mem>>
      %dma_start3A = arith.constant 0 : i32
      %dma_start3A_53 = tpu.memref_slice %arg3[%arg0, %add3A_48, %dma_start3A] : memref<2x10240x16xf32, #tpu.memory_space<hbm>> -> memref<1x128x16xf32, #tpu.memory_space<hbm>>
      %dma_start3A_54 = tpu.memref_squeeze %dma_start3A_53 : memref<1x128x16xf32, #tpu.memory_space<hbm>> -> memref<128x16xf32, #tpu.memory_space<hbm>>
      %dma_start3A_55 = arith.constant 0 : i32
      %dma_start3A_56 = tpu.memref_slice %arg7[%add3A_48, %dma_start3A_55] : memref<10240x16xf32, #tpu.memory_space<vmem_shared>> -> memref<128x16xf32, #tpu.memory_space<vmem_shared>>
      tpu.enqueue_dma source(%dma_start3A_56 : memref<128x16xf32, #tpu.memory_space<vmem_shared>>) target(%dma_start3A_54 : memref<128x16xf32, #tpu.memory_space<hbm>>) target_semaphore(%run_scoped3A : memref<!tpu.dma_semaphore, #tpu.memory_space<semaphore_mem>>)
      %dma_wait3A = arith.constant 0 : i32
      %dma_wait3A_57 = tpu.memref_slice %arg3[%arg0, %add3A_48, %dma_wait3A] : memref<2x10240x16xf32, #tpu.memory_space<hbm>> -> memref<1x128x16xf32, #tpu.memory_space<hbm>>
      %dma_wait3A_58 = tpu.memref_squeeze %dma_wait3A_57 : memref<1x128x16xf32, #tpu.memory_space<hbm>> -> memref<128x16xf32, #tpu.memory_space<hbm>>
      %dma_wait3A_59 = arith.constant 0 : i32
      %dma_wait3A_60 = tpu.memref_slice %arg7[%add3A_48, %dma_wait3A_59] : memref<10240x16xf32, #tpu.memory_space<vmem_shared>> -> memref<128x16xf32, #tpu.memory_space<vmem_shared>>
      tpu.wait_dma2 semaphore(%run_scoped3A : memref<!tpu.dma_semaphore, #tpu.memory_space<semaphore_mem>>) src(%dma_wait3A_60 : memref<128x16xf32, #tpu.memory_space<vmem_shared>>) dst(%dma_wait3A_58 : memref<128x16xf32, #tpu.memory_space<hbm>>)
      tpu.yield
    }) : () -> ()
    %mul3A_49 = arith.constant 640 : i32
    %mul3A_50 = arith.muli %arg1, %mul3A_49 : i32
    %add3A_51 = arith.constant 512 : i32
    %add3A_52 = arith.addi %mul3A_50, %add3A_51 : i32
    "tpu.region"() ({
      %run_scoped3A = tpu.sem_alloc : memref<!tpu.dma_semaphore, #tpu.memory_space<semaphore_mem>>
      %dma_start3A = arith.constant 0 : i32
      %dma_start3A_53 = tpu.memref_slice %arg3[%arg0, %add3A_52, %dma_start3A] : memref<2x10240x16xf32, #tpu.memory_space<hbm>> -> memref<1x128x16xf32, #tpu.memory_space<hbm>>
      %dma_start3A_54 = tpu.memref_squeeze %dma_start3A_53 : memref<1x128x16xf32, #tpu.memory_space<hbm>> -> memref<128x16xf32, #tpu.memory_space<hbm>>
      %dma_start3A_55 = arith.constant 0 : i32
      %dma_start3A_56 = tpu.memref_slice %arg7[%add3A_52, %dma_start3A_55] : memref<10240x16xf32, #tpu.memory_space<vmem_shared>> -> memref<128x16xf32, #tpu.memory_space<vmem_shared>>
      tpu.enqueue_dma source(%dma_start3A_56 : memref<128x16xf32, #tpu.memory_space<vmem_shared>>) target(%dma_start3A_54 : memref<128x16xf32, #tpu.memory_space<hbm>>) target_semaphore(%run_scoped3A : memref<!tpu.dma_semaphore, #tpu.memory_space<semaphore_mem>>)
      %dma_wait3A = arith.constant 0 : i32
      %dma_wait3A_57 = tpu.memref_slice %arg3[%arg0, %add3A_52, %dma_wait3A] : memref<2x10240x16xf32, #tpu.memory_space<hbm>> -> memref<1x128x16xf32, #tpu.memory_space<hbm>>
      %dma_wait3A_58 = tpu.memref_squeeze %dma_wait3A_57 : memref<1x128x16xf32, #tpu.memory_space<hbm>> -> memref<128x16xf32, #tpu.memory_space<hbm>>
      %dma_wait3A_59 = arith.constant 0 : i32
      %dma_wait3A_60 = tpu.memref_slice %arg7[%add3A_52, %dma_wait3A_59] : memref<10240x16xf32, #tpu.memory_space<vmem_shared>> -> memref<128x16xf32, #tpu.memory_space<vmem_shared>>
      tpu.wait_dma2 semaphore(%run_scoped3A : memref<!tpu.dma_semaphore, #tpu.memory_space<semaphore_mem>>) src(%dma_wait3A_60 : memref<128x16xf32, #tpu.memory_space<vmem_shared>>) dst(%dma_wait3A_58 : memref<128x16xf32, #tpu.memory_space<hbm>>)
      tpu.yield
    }) : () -> ()
    return
  }
}

#map = affine_map<(d0, d1) -> (0, 0)>
#map1 = affine_map<(d0, d1) -> (0, 0, 0)>
module attributes {stable_mosaic.version = 14 : i64} {
  func.func @_edge_body(%arg0: i32, %arg1: i32, %arg2: memref<10240x64xf32, #tpu.memory_space<hbm>>, %arg3: memref<32x80x128xi32, #tpu.memory_space<hbm>>, %arg4: memref<32x80x128xi32, #tpu.memory_space<hbm>>, %arg5: memref<640x64xf32, #tpu.memory_space<hbm>>, %arg6: memref<2x10240x64xf32, #tpu.memory_space<hbm>>, %arg7: memref<80x128xi32, #tpu.memory_space<vmem>>, %arg8: memref<80x128xi32, #tpu.memory_space<vmem>>, %arg9: memref<128x64xf32, #tpu.memory_space<vmem>>, %arg10: memref<128x64xf32, #tpu.memory_space<vmem>>, %arg11: memref<!tpu.dma_semaphore, #tpu.memory_space<semaphore_mem>>, %arg12: memref<!tpu.dma_semaphore, #tpu.memory_space<semaphore_mem>>, %arg13: memref<10240x64xf32, #tpu.memory_space<vmem_shared>>, %arg14: memref<10240x64xf32, #tpu.memory_space<vmem_shared>>) attributes {dimension_semantics = [#tpu.dimension_semantics<core_parallel>, #tpu.dimension_semantics<subcore_parallel>], iteration_bounds = array<i64: 2, 16>, scalar_prefetch = 0 : i64, scratch_operands = 8 : i64, tpu.core_type = #tpu.core_type<sc_vector_subcore>, window_params = [{transform_indices = #map}, {transform_indices = #map1}, {transform_indices = #map1}, {transform_indices = #map}, {transform_indices = #map1}]} {
    %mul3A = arith.constant 16 : i32
    %mul3A_0 = arith.muli %arg0, %mul3A : i32
    %add3A = arith.addi %mul3A_0, %arg1 : i32
    %mul3A_1 = arith.constant 640 : i32
    %mul3A_2 = arith.muli %arg1, %mul3A_1 : i32
    %dma_start3A = arith.constant 0 : i32
    %dma_start3A_3 = tpu.memref_slice %arg14[%mul3A_2, %dma_start3A] : memref<10240x64xf32, #tpu.memory_space<vmem_shared>> -> memref<640x64xf32, #tpu.memory_space<vmem_shared>>
    tpu.enqueue_dma source(%arg5 : memref<640x64xf32, #tpu.memory_space<hbm>>) target(%dma_start3A_3 : memref<640x64xf32, #tpu.memory_space<vmem_shared>>) target_semaphore(%arg11 : memref<!tpu.dma_semaphore, #tpu.memory_space<semaphore_mem>>)
    %dma_start3A_4 = arith.constant 0 : i32
    %dma_start3A_5 = tpu.memref_slice %arg13[%mul3A_2, %dma_start3A_4] : memref<10240x64xf32, #tpu.memory_space<vmem_shared>> -> memref<640x64xf32, #tpu.memory_space<vmem_shared>>
    %dma_start3A_6 = arith.constant 0 : i32
    %dma_start3A_7 = tpu.memref_slice %arg2[%mul3A_2, %dma_start3A_6] : memref<10240x64xf32, #tpu.memory_space<hbm>> -> memref<640x64xf32, #tpu.memory_space<hbm>>
    tpu.enqueue_dma source(%dma_start3A_7 : memref<640x64xf32, #tpu.memory_space<hbm>>) target(%dma_start3A_5 : memref<640x64xf32, #tpu.memory_space<vmem_shared>>) target_semaphore(%arg11 : memref<!tpu.dma_semaphore, #tpu.memory_space<semaphore_mem>>)
    %dma_start3A_8 = arith.constant 0 : i32
    %dma_start3A_9 = arith.constant 0 : i32
    %dma_start3A_10 = tpu.memref_slice %arg3[%add3A, %dma_start3A_8, %dma_start3A_9] : memref<32x80x128xi32, #tpu.memory_space<hbm>> -> memref<1x80x128xi32, #tpu.memory_space<hbm>>
    %dma_start3A_11 = tpu.memref_squeeze %dma_start3A_10 : memref<1x80x128xi32, #tpu.memory_space<hbm>> -> memref<80x128xi32, #tpu.memory_space<hbm>>
    %dma_start3A_12 = arith.constant 0 : i32
    %dma_start3A_13 = arith.constant 0 : i32
    %dma_start3A_14 = tpu.memref_slice %arg3[%add3A, %dma_start3A_12, %dma_start3A_13] : memref<32x80x128xi32, #tpu.memory_space<hbm>> -> memref<1x80x128xi32, #tpu.memory_space<hbm>>
    %dma_start3A_15 = tpu.memref_squeeze %dma_start3A_14 : memref<1x80x128xi32, #tpu.memory_space<hbm>> -> memref<80x128xi32, #tpu.memory_space<hbm>>
    tpu.enqueue_dma source(%dma_start3A_15 : memref<80x128xi32, #tpu.memory_space<hbm>>) target(%arg7 : memref<80x128xi32, #tpu.memory_space<vmem>>) target_semaphore(%arg11 : memref<!tpu.dma_semaphore, #tpu.memory_space<semaphore_mem>>)
    %dma_start3A_16 = arith.constant 0 : i32
    %dma_start3A_17 = arith.constant 0 : i32
    %dma_start3A_18 = tpu.memref_slice %arg4[%add3A, %dma_start3A_16, %dma_start3A_17] : memref<32x80x128xi32, #tpu.memory_space<hbm>> -> memref<1x80x128xi32, #tpu.memory_space<hbm>>
    %dma_start3A_19 = tpu.memref_squeeze %dma_start3A_18 : memref<1x80x128xi32, #tpu.memory_space<hbm>> -> memref<80x128xi32, #tpu.memory_space<hbm>>
    %dma_start3A_20 = arith.constant 0 : i32
    %dma_start3A_21 = arith.constant 0 : i32
    %dma_start3A_22 = tpu.memref_slice %arg4[%add3A, %dma_start3A_20, %dma_start3A_21] : memref<32x80x128xi32, #tpu.memory_space<hbm>> -> memref<1x80x128xi32, #tpu.memory_space<hbm>>
    %dma_start3A_23 = tpu.memref_squeeze %dma_start3A_22 : memref<1x80x128xi32, #tpu.memory_space<hbm>> -> memref<80x128xi32, #tpu.memory_space<hbm>>
    tpu.enqueue_dma source(%dma_start3A_23 : memref<80x128xi32, #tpu.memory_space<hbm>>) target(%arg8 : memref<80x128xi32, #tpu.memory_space<vmem>>) target_semaphore(%arg11 : memref<!tpu.dma_semaphore, #tpu.memory_space<semaphore_mem>>)
    %dma_wait3A = arith.constant 0 : i32
    %dma_wait3A_24 = tpu.memref_slice %arg14[%mul3A_2, %dma_wait3A] : memref<10240x64xf32, #tpu.memory_space<vmem_shared>> -> memref<640x64xf32, #tpu.memory_space<vmem_shared>>
    tpu.wait_dma2 semaphore(%arg11 : memref<!tpu.dma_semaphore, #tpu.memory_space<semaphore_mem>>) src(%arg5 : memref<640x64xf32, #tpu.memory_space<hbm>>) dst(%dma_wait3A_24 : memref<640x64xf32, #tpu.memory_space<vmem_shared>>)
    %dma_wait3A_25 = arith.constant 0 : i32
    %dma_wait3A_26 = tpu.memref_slice %arg13[%mul3A_2, %dma_wait3A_25] : memref<10240x64xf32, #tpu.memory_space<vmem_shared>> -> memref<640x64xf32, #tpu.memory_space<vmem_shared>>
    %dma_wait3A_27 = arith.constant 0 : i32
    %dma_wait3A_28 = tpu.memref_slice %arg2[%mul3A_2, %dma_wait3A_27] : memref<10240x64xf32, #tpu.memory_space<hbm>> -> memref<640x64xf32, #tpu.memory_space<hbm>>
    tpu.wait_dma2 semaphore(%arg11 : memref<!tpu.dma_semaphore, #tpu.memory_space<semaphore_mem>>) src(%dma_wait3A_28 : memref<640x64xf32, #tpu.memory_space<hbm>>) dst(%dma_wait3A_26 : memref<640x64xf32, #tpu.memory_space<vmem_shared>>)
    %dma_wait3A_29 = arith.constant 0 : i32
    %dma_wait3A_30 = arith.constant 0 : i32
    %dma_wait3A_31 = tpu.memref_slice %arg3[%add3A, %dma_wait3A_29, %dma_wait3A_30] : memref<32x80x128xi32, #tpu.memory_space<hbm>> -> memref<1x80x128xi32, #tpu.memory_space<hbm>>
    %dma_wait3A_32 = tpu.memref_squeeze %dma_wait3A_31 : memref<1x80x128xi32, #tpu.memory_space<hbm>> -> memref<80x128xi32, #tpu.memory_space<hbm>>
    %dma_wait3A_33 = arith.constant 0 : i32
    %dma_wait3A_34 = arith.constant 0 : i32
    %dma_wait3A_35 = tpu.memref_slice %arg3[%add3A, %dma_wait3A_33, %dma_wait3A_34] : memref<32x80x128xi32, #tpu.memory_space<hbm>> -> memref<1x80x128xi32, #tpu.memory_space<hbm>>
    %dma_wait3A_36 = tpu.memref_squeeze %dma_wait3A_35 : memref<1x80x128xi32, #tpu.memory_space<hbm>> -> memref<80x128xi32, #tpu.memory_space<hbm>>
    tpu.wait_dma2 semaphore(%arg11 : memref<!tpu.dma_semaphore, #tpu.memory_space<semaphore_mem>>) src(%dma_wait3A_36 : memref<80x128xi32, #tpu.memory_space<hbm>>) dst(%arg7 : memref<80x128xi32, #tpu.memory_space<vmem>>)
    %dma_wait3A_37 = arith.constant 0 : i32
    %dma_wait3A_38 = arith.constant 0 : i32
    %dma_wait3A_39 = tpu.memref_slice %arg4[%add3A, %dma_wait3A_37, %dma_wait3A_38] : memref<32x80x128xi32, #tpu.memory_space<hbm>> -> memref<1x80x128xi32, #tpu.memory_space<hbm>>
    %dma_wait3A_40 = tpu.memref_squeeze %dma_wait3A_39 : memref<1x80x128xi32, #tpu.memory_space<hbm>> -> memref<80x128xi32, #tpu.memory_space<hbm>>
    %dma_wait3A_41 = arith.constant 0 : i32
    %dma_wait3A_42 = arith.constant 0 : i32
    %dma_wait3A_43 = tpu.memref_slice %arg4[%add3A, %dma_wait3A_41, %dma_wait3A_42] : memref<32x80x128xi32, #tpu.memory_space<hbm>> -> memref<1x80x128xi32, #tpu.memory_space<hbm>>
    %dma_wait3A_44 = tpu.memref_squeeze %dma_wait3A_43 : memref<1x80x128xi32, #tpu.memory_space<hbm>> -> memref<80x128xi32, #tpu.memory_space<hbm>>
    tpu.wait_dma2 semaphore(%arg11 : memref<!tpu.dma_semaphore, #tpu.memory_space<semaphore_mem>>) src(%dma_wait3A_44 : memref<80x128xi32, #tpu.memory_space<hbm>>) dst(%arg8 : memref<80x128xi32, #tpu.memory_space<vmem>>)
    %barrier3A = arith.constant 0 : index
    tpu.barrier barrier_id(%barrier3A)
    %dma_start3A_45 = arith.constant 0 : i32
    %dma_start3A_46 = arith.constant 0 : i32
    %dma_start3A_47 = tpu.memref_slice %arg7[%dma_start3A_45, %dma_start3A_46] : memref<80x128xi32, #tpu.memory_space<vmem>> -> memref<1x128xi32, #tpu.memory_space<vmem>>
    %dma_start3A_48 = tpu.memref_squeeze %dma_start3A_47 : memref<1x128xi32, #tpu.memory_space<vmem>> -> memref<128xi32, #tpu.memory_space<vmem>>
    %dma_start3A_49 = arith.constant 0 : i32
    %dma_start3A_50 = arith.constant 0 : i32
    %dma_start3A_51 = tpu.memref_slice %arg13[%dma_start3A_49, %dma_start3A_50] : memref<10240x64xf32, #tpu.memory_space<vmem_shared>> -> memref<10240x64xf32, #tpu.memory_space<vmem_shared>>
    tpu.enqueue_indirect_dma source(%dma_start3A_51 : memref<10240x64xf32, #tpu.memory_space<vmem_shared>>) target(%arg9 : memref<128x64xf32, #tpu.memory_space<vmem>>) offsets(%dma_start3A_48 : memref<128xi32, #tpu.memory_space<vmem>>) semaphore(%arg11 : memref<!tpu.dma_semaphore, #tpu.memory_space<semaphore_mem>>)
    %dma_start3A_52 = arith.constant 1 : i32
    %dma_start3A_53 = arith.constant 0 : i32
    %dma_start3A_54 = tpu.memref_slice %arg7[%dma_start3A_52, %dma_start3A_53] : memref<80x128xi32, #tpu.memory_space<vmem>> -> memref<1x128xi32, #tpu.memory_space<vmem>>
    %dma_start3A_55 = tpu.memref_squeeze %dma_start3A_54 : memref<1x128xi32, #tpu.memory_space<vmem>> -> memref<128xi32, #tpu.memory_space<vmem>>
    %dma_start3A_56 = arith.constant 0 : i32
    %dma_start3A_57 = arith.constant 0 : i32
    %dma_start3A_58 = tpu.memref_slice %arg13[%dma_start3A_56, %dma_start3A_57] : memref<10240x64xf32, #tpu.memory_space<vmem_shared>> -> memref<10240x64xf32, #tpu.memory_space<vmem_shared>>
    tpu.enqueue_indirect_dma source(%dma_start3A_58 : memref<10240x64xf32, #tpu.memory_space<vmem_shared>>) target(%arg10 : memref<128x64xf32, #tpu.memory_space<vmem>>) offsets(%dma_start3A_55 : memref<128xi32, #tpu.memory_space<vmem>>) semaphore(%arg12 : memref<!tpu.dma_semaphore, #tpu.memory_space<semaphore_mem>>)
    %scan3A = arith.constant 0 : i32
    %scan3A_59 = arith.constant 0 : i32
    %scan3A_60 = arith.constant 39 : i32
    %scan3A_61 = arith.addi %scan3A_59, %scan3A_60 : i32
    %scan3A_62 = arith.constant 1 : i32
    scf.for %scan3A_78 = %scan3A_59 to %scan3A_61 step %scan3A_62  : i32 {
      %mul3A_79 = arith.constant 2 : i32
      %mul3A_80 = arith.muli %scan3A_78, %mul3A_79 : i32
      %add3A_81 = arith.constant 0 : i32
      %add3A_82 = arith.addi %mul3A_80, %add3A_81 : i32
      %dma_wait3A_83 = arith.constant 0 : i32
      %dma_wait3A_84 = arith.constant 0 : i32
      %dma_wait3A_85 = tpu.memref_slice %arg13[%dma_wait3A_83, %dma_wait3A_84] : memref<10240x64xf32, #tpu.memory_space<vmem_shared>> -> memref<128x64xf32, #tpu.memory_space<vmem_shared>>
      %dma_wait3A_86 = arith.constant 0 : i32
      %dma_wait3A_87 = arith.constant 0 : i32
      %dma_wait3A_88 = tpu.memref_slice %arg13[%dma_wait3A_86, %dma_wait3A_87] : memref<10240x64xf32, #tpu.memory_space<vmem_shared>> -> memref<128x64xf32, #tpu.memory_space<vmem_shared>>
      tpu.wait_dma2 semaphore(%arg11 : memref<!tpu.dma_semaphore, #tpu.memory_space<semaphore_mem>>) src(%dma_wait3A_88 : memref<128x64xf32, #tpu.memory_space<vmem_shared>>) dst(%arg9 : memref<128x64xf32, #tpu.memory_space<vmem>>)
      "tpu.region"() ({
        %run_scoped3A_115 = tpu.sem_alloc : memref<!tpu.dma_semaphore, #tpu.memory_space<semaphore_mem>>
        %dma_start3A_116 = arith.constant 0 : i32
        %dma_start3A_117 = tpu.memref_slice %arg8[%add3A_82, %dma_start3A_116] : memref<80x128xi32, #tpu.memory_space<vmem>> -> memref<1x128xi32, #tpu.memory_space<vmem>>
        %dma_start3A_118 = tpu.memref_squeeze %dma_start3A_117 : memref<1x128xi32, #tpu.memory_space<vmem>> -> memref<128xi32, #tpu.memory_space<vmem>>
        %dma_start3A_119 = arith.constant 0 : i32
        %dma_start3A_120 = arith.constant 0 : i32
        %dma_start3A_121 = tpu.memref_slice %arg14[%dma_start3A_119, %dma_start3A_120] : memref<10240x64xf32, #tpu.memory_space<vmem_shared>> -> memref<10240x64xf32, #tpu.memory_space<vmem_shared>>
        tpu.enqueue_indirect_dma source(%arg9 : memref<128x64xf32, #tpu.memory_space<vmem>>) target(%dma_start3A_121 : memref<10240x64xf32, #tpu.memory_space<vmem_shared>>) offsets(%dma_start3A_118 : memref<128xi32, #tpu.memory_space<vmem>>) semaphore(%run_scoped3A_115 : memref<!tpu.dma_semaphore, #tpu.memory_space<semaphore_mem>>) {add = true}
        %dma_wait3A_122 = arith.constant 0 : i32
        %dma_wait3A_123 = tpu.memref_slice %arg8[%add3A_82, %dma_wait3A_122] : memref<80x128xi32, #tpu.memory_space<vmem>> -> memref<1x128xi32, #tpu.memory_space<vmem>>
        %dma_wait3A_124 = tpu.memref_squeeze %dma_wait3A_123 : memref<1x128xi32, #tpu.memory_space<vmem>> -> memref<128xi32, #tpu.memory_space<vmem>>
        %dma_wait3A_125 = arith.constant 0 : i32
        %dma_wait3A_126 = arith.constant 0 : i32
        %dma_wait3A_127 = tpu.memref_slice %arg14[%dma_wait3A_125, %dma_wait3A_126] : memref<10240x64xf32, #tpu.memory_space<vmem_shared>> -> memref<10240x64xf32, #tpu.memory_space<vmem_shared>>
        tpu.wait_indirect_dma semaphore(%run_scoped3A_115 : memref<!tpu.dma_semaphore, #tpu.memory_space<semaphore_mem>>) src(%arg9 : memref<128x64xf32, #tpu.memory_space<vmem>>) dst(%dma_wait3A_127 : memref<10240x64xf32, #tpu.memory_space<vmem_shared>>)
        tpu.yield
      }) : () -> ()
      %add3A_89 = arith.constant 2 : i32
      %add3A_90 = arith.addi %add3A_82, %add3A_89 : i32
      %dma_start3A_91 = arith.constant 0 : i32
      %dma_start3A_92 = tpu.memref_slice %arg7[%add3A_90, %dma_start3A_91] : memref<80x128xi32, #tpu.memory_space<vmem>> -> memref<1x128xi32, #tpu.memory_space<vmem>>
      %dma_start3A_93 = tpu.memref_squeeze %dma_start3A_92 : memref<1x128xi32, #tpu.memory_space<vmem>> -> memref<128xi32, #tpu.memory_space<vmem>>
      %dma_start3A_94 = arith.constant 0 : i32
      %dma_start3A_95 = arith.constant 0 : i32
      %dma_start3A_96 = tpu.memref_slice %arg13[%dma_start3A_94, %dma_start3A_95] : memref<10240x64xf32, #tpu.memory_space<vmem_shared>> -> memref<10240x64xf32, #tpu.memory_space<vmem_shared>>
      tpu.enqueue_indirect_dma source(%dma_start3A_96 : memref<10240x64xf32, #tpu.memory_space<vmem_shared>>) target(%arg9 : memref<128x64xf32, #tpu.memory_space<vmem>>) offsets(%dma_start3A_93 : memref<128xi32, #tpu.memory_space<vmem>>) semaphore(%arg11 : memref<!tpu.dma_semaphore, #tpu.memory_space<semaphore_mem>>)
      %mul3A_97 = arith.constant 2 : i32
      %mul3A_98 = arith.muli %scan3A_78, %mul3A_97 : i32
      %add3A_99 = arith.constant 1 : i32
      %add3A_100 = arith.addi %mul3A_98, %add3A_99 : i32
      %dma_wait3A_101 = arith.constant 0 : i32
      %dma_wait3A_102 = arith.constant 0 : i32
      %dma_wait3A_103 = tpu.memref_slice %arg13[%dma_wait3A_101, %dma_wait3A_102] : memref<10240x64xf32, #tpu.memory_space<vmem_shared>> -> memref<128x64xf32, #tpu.memory_space<vmem_shared>>
      %dma_wait3A_104 = arith.constant 0 : i32
      %dma_wait3A_105 = arith.constant 0 : i32
      %dma_wait3A_106 = tpu.memref_slice %arg13[%dma_wait3A_104, %dma_wait3A_105] : memref<10240x64xf32, #tpu.memory_space<vmem_shared>> -> memref<128x64xf32, #tpu.memory_space<vmem_shared>>
      tpu.wait_dma2 semaphore(%arg12 : memref<!tpu.dma_semaphore, #tpu.memory_space<semaphore_mem>>) src(%dma_wait3A_106 : memref<128x64xf32, #tpu.memory_space<vmem_shared>>) dst(%arg10 : memref<128x64xf32, #tpu.memory_space<vmem>>)
      "tpu.region"() ({
        %run_scoped3A_115 = tpu.sem_alloc : memref<!tpu.dma_semaphore, #tpu.memory_space<semaphore_mem>>
        %dma_start3A_116 = arith.constant 0 : i32
        %dma_start3A_117 = tpu.memref_slice %arg8[%add3A_100, %dma_start3A_116] : memref<80x128xi32, #tpu.memory_space<vmem>> -> memref<1x128xi32, #tpu.memory_space<vmem>>
        %dma_start3A_118 = tpu.memref_squeeze %dma_start3A_117 : memref<1x128xi32, #tpu.memory_space<vmem>> -> memref<128xi32, #tpu.memory_space<vmem>>
        %dma_start3A_119 = arith.constant 0 : i32
        %dma_start3A_120 = arith.constant 0 : i32
        %dma_start3A_121 = tpu.memref_slice %arg14[%dma_start3A_119, %dma_start3A_120] : memref<10240x64xf32, #tpu.memory_space<vmem_shared>> -> memref<10240x64xf32, #tpu.memory_space<vmem_shared>>
        tpu.enqueue_indirect_dma source(%arg10 : memref<128x64xf32, #tpu.memory_space<vmem>>) target(%dma_start3A_121 : memref<10240x64xf32, #tpu.memory_space<vmem_shared>>) offsets(%dma_start3A_118 : memref<128xi32, #tpu.memory_space<vmem>>) semaphore(%run_scoped3A_115 : memref<!tpu.dma_semaphore, #tpu.memory_space<semaphore_mem>>) {add = true}
        %dma_wait3A_122 = arith.constant 0 : i32
        %dma_wait3A_123 = tpu.memref_slice %arg8[%add3A_100, %dma_wait3A_122] : memref<80x128xi32, #tpu.memory_space<vmem>> -> memref<1x128xi32, #tpu.memory_space<vmem>>
        %dma_wait3A_124 = tpu.memref_squeeze %dma_wait3A_123 : memref<1x128xi32, #tpu.memory_space<vmem>> -> memref<128xi32, #tpu.memory_space<vmem>>
        %dma_wait3A_125 = arith.constant 0 : i32
        %dma_wait3A_126 = arith.constant 0 : i32
        %dma_wait3A_127 = tpu.memref_slice %arg14[%dma_wait3A_125, %dma_wait3A_126] : memref<10240x64xf32, #tpu.memory_space<vmem_shared>> -> memref<10240x64xf32, #tpu.memory_space<vmem_shared>>
        tpu.wait_indirect_dma semaphore(%run_scoped3A_115 : memref<!tpu.dma_semaphore, #tpu.memory_space<semaphore_mem>>) src(%arg10 : memref<128x64xf32, #tpu.memory_space<vmem>>) dst(%dma_wait3A_127 : memref<10240x64xf32, #tpu.memory_space<vmem_shared>>)
        tpu.yield
      }) : () -> ()
      %add3A_107 = arith.constant 2 : i32
      %add3A_108 = arith.addi %add3A_100, %add3A_107 : i32
      %dma_start3A_109 = arith.constant 0 : i32
      %dma_start3A_110 = tpu.memref_slice %arg7[%add3A_108, %dma_start3A_109] : memref<80x128xi32, #tpu.memory_space<vmem>> -> memref<1x128xi32, #tpu.memory_space<vmem>>
      %dma_start3A_111 = tpu.memref_squeeze %dma_start3A_110 : memref<1x128xi32, #tpu.memory_space<vmem>> -> memref<128xi32, #tpu.memory_space<vmem>>
      %dma_start3A_112 = arith.constant 0 : i32
      %dma_start3A_113 = arith.constant 0 : i32
      %dma_start3A_114 = tpu.memref_slice %arg13[%dma_start3A_112, %dma_start3A_113] : memref<10240x64xf32, #tpu.memory_space<vmem_shared>> -> memref<10240x64xf32, #tpu.memory_space<vmem_shared>>
      tpu.enqueue_indirect_dma source(%dma_start3A_114 : memref<10240x64xf32, #tpu.memory_space<vmem_shared>>) target(%arg10 : memref<128x64xf32, #tpu.memory_space<vmem>>) offsets(%dma_start3A_111 : memref<128xi32, #tpu.memory_space<vmem>>) semaphore(%arg12 : memref<!tpu.dma_semaphore, #tpu.memory_space<semaphore_mem>>)
    }
    %scan3A_63 = arith.constant 39 : i32
    %dma_wait3A_64 = arith.constant 0 : i32
    %dma_wait3A_65 = arith.constant 0 : i32
    %dma_wait3A_66 = tpu.memref_slice %arg13[%dma_wait3A_64, %dma_wait3A_65] : memref<10240x64xf32, #tpu.memory_space<vmem_shared>> -> memref<128x64xf32, #tpu.memory_space<vmem_shared>>
    %dma_wait3A_67 = arith.constant 0 : i32
    %dma_wait3A_68 = arith.constant 0 : i32
    %dma_wait3A_69 = tpu.memref_slice %arg13[%dma_wait3A_67, %dma_wait3A_68] : memref<10240x64xf32, #tpu.memory_space<vmem_shared>> -> memref<128x64xf32, #tpu.memory_space<vmem_shared>>
    tpu.wait_dma2 semaphore(%arg11 : memref<!tpu.dma_semaphore, #tpu.memory_space<semaphore_mem>>) src(%dma_wait3A_69 : memref<128x64xf32, #tpu.memory_space<vmem_shared>>) dst(%arg9 : memref<128x64xf32, #tpu.memory_space<vmem>>)
    %run_scoped3A = arith.constant 78 : i32
    "tpu.region"() ({
      %run_scoped3A_78 = tpu.sem_alloc : memref<!tpu.dma_semaphore, #tpu.memory_space<semaphore_mem>>
      %dma_start3A_79 = arith.constant 0 : i32
      %dma_start3A_80 = tpu.memref_slice %arg8[%run_scoped3A, %dma_start3A_79] : memref<80x128xi32, #tpu.memory_space<vmem>> -> memref<1x128xi32, #tpu.memory_space<vmem>>
      %dma_start3A_81 = tpu.memref_squeeze %dma_start3A_80 : memref<1x128xi32, #tpu.memory_space<vmem>> -> memref<128xi32, #tpu.memory_space<vmem>>
      %dma_start3A_82 = arith.constant 0 : i32
      %dma_start3A_83 = arith.constant 0 : i32
      %dma_start3A_84 = tpu.memref_slice %arg14[%dma_start3A_82, %dma_start3A_83] : memref<10240x64xf32, #tpu.memory_space<vmem_shared>> -> memref<10240x64xf32, #tpu.memory_space<vmem_shared>>
      tpu.enqueue_indirect_dma source(%arg9 : memref<128x64xf32, #tpu.memory_space<vmem>>) target(%dma_start3A_84 : memref<10240x64xf32, #tpu.memory_space<vmem_shared>>) offsets(%dma_start3A_81 : memref<128xi32, #tpu.memory_space<vmem>>) semaphore(%run_scoped3A_78 : memref<!tpu.dma_semaphore, #tpu.memory_space<semaphore_mem>>) {add = true}
      %dma_wait3A_85 = arith.constant 0 : i32
      %dma_wait3A_86 = tpu.memref_slice %arg8[%run_scoped3A, %dma_wait3A_85] : memref<80x128xi32, #tpu.memory_space<vmem>> -> memref<1x128xi32, #tpu.memory_space<vmem>>
      %dma_wait3A_87 = tpu.memref_squeeze %dma_wait3A_86 : memref<1x128xi32, #tpu.memory_space<vmem>> -> memref<128xi32, #tpu.memory_space<vmem>>
      %dma_wait3A_88 = arith.constant 0 : i32
      %dma_wait3A_89 = arith.constant 0 : i32
      %dma_wait3A_90 = tpu.memref_slice %arg14[%dma_wait3A_88, %dma_wait3A_89] : memref<10240x64xf32, #tpu.memory_space<vmem_shared>> -> memref<10240x64xf32, #tpu.memory_space<vmem_shared>>
      tpu.wait_indirect_dma semaphore(%run_scoped3A_78 : memref<!tpu.dma_semaphore, #tpu.memory_space<semaphore_mem>>) src(%arg9 : memref<128x64xf32, #tpu.memory_space<vmem>>) dst(%dma_wait3A_90 : memref<10240x64xf32, #tpu.memory_space<vmem_shared>>)
      tpu.yield
    }) : () -> ()
    %dma_wait3A_70 = arith.constant 0 : i32
    %dma_wait3A_71 = arith.constant 0 : i32
    %dma_wait3A_72 = tpu.memref_slice %arg13[%dma_wait3A_70, %dma_wait3A_71] : memref<10240x64xf32, #tpu.memory_space<vmem_shared>> -> memref<128x64xf32, #tpu.memory_space<vmem_shared>>
    %dma_wait3A_73 = arith.constant 0 : i32
    %dma_wait3A_74 = arith.constant 0 : i32
    %dma_wait3A_75 = tpu.memref_slice %arg13[%dma_wait3A_73, %dma_wait3A_74] : memref<10240x64xf32, #tpu.memory_space<vmem_shared>> -> memref<128x64xf32, #tpu.memory_space<vmem_shared>>
    tpu.wait_dma2 semaphore(%arg12 : memref<!tpu.dma_semaphore, #tpu.memory_space<semaphore_mem>>) src(%dma_wait3A_75 : memref<128x64xf32, #tpu.memory_space<vmem_shared>>) dst(%arg10 : memref<128x64xf32, #tpu.memory_space<vmem>>)
    %run_scoped3A_76 = arith.constant 79 : i32
    "tpu.region"() ({
      %run_scoped3A_78 = tpu.sem_alloc : memref<!tpu.dma_semaphore, #tpu.memory_space<semaphore_mem>>
      %dma_start3A_79 = arith.constant 0 : i32
      %dma_start3A_80 = tpu.memref_slice %arg8[%run_scoped3A_76, %dma_start3A_79] : memref<80x128xi32, #tpu.memory_space<vmem>> -> memref<1x128xi32, #tpu.memory_space<vmem>>
      %dma_start3A_81 = tpu.memref_squeeze %dma_start3A_80 : memref<1x128xi32, #tpu.memory_space<vmem>> -> memref<128xi32, #tpu.memory_space<vmem>>
      %dma_start3A_82 = arith.constant 0 : i32
      %dma_start3A_83 = arith.constant 0 : i32
      %dma_start3A_84 = tpu.memref_slice %arg14[%dma_start3A_82, %dma_start3A_83] : memref<10240x64xf32, #tpu.memory_space<vmem_shared>> -> memref<10240x64xf32, #tpu.memory_space<vmem_shared>>
      tpu.enqueue_indirect_dma source(%arg10 : memref<128x64xf32, #tpu.memory_space<vmem>>) target(%dma_start3A_84 : memref<10240x64xf32, #tpu.memory_space<vmem_shared>>) offsets(%dma_start3A_81 : memref<128xi32, #tpu.memory_space<vmem>>) semaphore(%run_scoped3A_78 : memref<!tpu.dma_semaphore, #tpu.memory_space<semaphore_mem>>) {add = true}
      %dma_wait3A_85 = arith.constant 0 : i32
      %dma_wait3A_86 = tpu.memref_slice %arg8[%run_scoped3A_76, %dma_wait3A_85] : memref<80x128xi32, #tpu.memory_space<vmem>> -> memref<1x128xi32, #tpu.memory_space<vmem>>
      %dma_wait3A_87 = tpu.memref_squeeze %dma_wait3A_86 : memref<1x128xi32, #tpu.memory_space<vmem>> -> memref<128xi32, #tpu.memory_space<vmem>>
      %dma_wait3A_88 = arith.constant 0 : i32
      %dma_wait3A_89 = arith.constant 0 : i32
      %dma_wait3A_90 = tpu.memref_slice %arg14[%dma_wait3A_88, %dma_wait3A_89] : memref<10240x64xf32, #tpu.memory_space<vmem_shared>> -> memref<10240x64xf32, #tpu.memory_space<vmem_shared>>
      tpu.wait_indirect_dma semaphore(%run_scoped3A_78 : memref<!tpu.dma_semaphore, #tpu.memory_space<semaphore_mem>>) src(%arg10 : memref<128x64xf32, #tpu.memory_space<vmem>>) dst(%dma_wait3A_90 : memref<10240x64xf32, #tpu.memory_space<vmem_shared>>)
      tpu.yield
    }) : () -> ()
    %barrier3A_77 = arith.constant 0 : index
    tpu.barrier barrier_id(%barrier3A_77)
    "tpu.region"() ({
      %run_scoped3A_78 = tpu.sem_alloc : memref<!tpu.dma_semaphore, #tpu.memory_space<semaphore_mem>>
      %dma_start3A_79 = arith.constant 0 : i32
      %dma_start3A_80 = tpu.memref_slice %arg6[%arg0, %mul3A_2, %dma_start3A_79] : memref<2x10240x64xf32, #tpu.memory_space<hbm>> -> memref<1x640x64xf32, #tpu.memory_space<hbm>>
      %dma_start3A_81 = tpu.memref_squeeze %dma_start3A_80 : memref<1x640x64xf32, #tpu.memory_space<hbm>> -> memref<640x64xf32, #tpu.memory_space<hbm>>
      %dma_start3A_82 = arith.constant 0 : i32
      %dma_start3A_83 = tpu.memref_slice %arg14[%mul3A_2, %dma_start3A_82] : memref<10240x64xf32, #tpu.memory_space<vmem_shared>> -> memref<640x64xf32, #tpu.memory_space<vmem_shared>>
      tpu.enqueue_dma source(%dma_start3A_83 : memref<640x64xf32, #tpu.memory_space<vmem_shared>>) target(%dma_start3A_81 : memref<640x64xf32, #tpu.memory_space<hbm>>) target_semaphore(%run_scoped3A_78 : memref<!tpu.dma_semaphore, #tpu.memory_space<semaphore_mem>>)
      %dma_wait3A_84 = arith.constant 0 : i32
      %dma_wait3A_85 = tpu.memref_slice %arg6[%arg0, %mul3A_2, %dma_wait3A_84] : memref<2x10240x64xf32, #tpu.memory_space<hbm>> -> memref<1x640x64xf32, #tpu.memory_space<hbm>>
      %dma_wait3A_86 = tpu.memref_squeeze %dma_wait3A_85 : memref<1x640x64xf32, #tpu.memory_space<hbm>> -> memref<640x64xf32, #tpu.memory_space<hbm>>
      %dma_wait3A_87 = arith.constant 0 : i32
      %dma_wait3A_88 = tpu.memref_slice %arg14[%mul3A_2, %dma_wait3A_87] : memref<10240x64xf32, #tpu.memory_space<vmem_shared>> -> memref<640x64xf32, #tpu.memory_space<vmem_shared>>
      tpu.wait_dma2 semaphore(%run_scoped3A_78 : memref<!tpu.dma_semaphore, #tpu.memory_space<semaphore_mem>>) src(%dma_wait3A_88 : memref<640x64xf32, #tpu.memory_space<vmem_shared>>) dst(%dma_wait3A_86 : memref<640x64xf32, #tpu.memory_space<hbm>>)
      tpu.yield
    }) : () -> ()
    return
  }
}

module attributes {stable_mosaic.version = 14 : i64} {
  func.func @_mm_scale_body(%arg0: i32, %arg1: memref<640x128xf32, #tpu.memory_space<vmem>>, %arg2: memref<128x64xf32, #tpu.memory_space<vmem>>, %arg3: memref<2x640x16xf32, #tpu.memory_space<vmem>>, %arg4: memref<640x64xf32, #tpu.memory_space<vmem>>) attributes {dimension_semantics = [#tpu.dimension_semantics<arbitrary>], iteration_bounds = array<i64: 16>, scalar_prefetch = 0 : i64, scratch_operands = 0 : i64, tpu.core_type = #tpu.core_type<tc>, window_params = [{transform_indices = @transform_0, window_bounds = array<i64: 640, 128>}, {pipeline_mode = #tpu.pipeline_mode<synchronous>, transform_indices = @transform_1, window_bounds = array<i64: 128, 64>}, {transform_indices = @transform_2, window_bounds = array<i64: 2, 640, 16>}, {transform_indices = @transform_3, window_bounds = array<i64: 640, 64>}]} {
    %get3A = arith.constant 0 : index
    %get3A_0 = arith.constant 0 : index
    %get3A_1 = vector.load %arg1[%get3A, %get3A_0] : memref<640x128xf32, #tpu.memory_space<vmem>>, vector<640x128xf32>
    %get3A_2 = arith.constant 0 : index
    %get3A_3 = arith.constant 0 : index
    %get3A_4 = vector.load %arg2[%get3A_2, %get3A_3] : memref<128x64xf32, #tpu.memory_space<vmem>>, vector<128x64xf32>
    %dot_general3A = arith.constant dense<0.000000e+00> : vector<640x64xf32>
    %dot_general3A_5 = tpu.matmul %get3A_1, %get3A_4, %dot_general3A {dimension_numbers = #tpu.dot_dimension_numbers<[1], [0], [0], [1], [0, 0, 1, 1], [], []>, transpose_lhs_hint = false} : vector<640x128xf32>, vector<128x64xf32>, vector<640x64xf32> -> vector<640x64xf32>
    %get3A_6 = arith.constant 0 : index
    %get3A_7 = arith.constant 0 : index
    %get3A_8 = arith.constant 0 : index
    %get3A_9 = vector.load %arg3[%get3A_6, %get3A_7, %get3A_8] : memref<2x640x16xf32, #tpu.memory_space<vmem>>, vector<1x640x16xf32>
    %get3A_10 = vector.shape_cast %get3A_9 : vector<1x640x16xf32> to vector<640x16xf32>
    %get3A_11 = arith.constant 1 : index
    %get3A_12 = arith.constant 0 : index
    %get3A_13 = arith.constant 0 : index
    %get3A_14 = vector.load %arg3[%get3A_11, %get3A_12, %get3A_13] : memref<2x640x16xf32, #tpu.memory_space<vmem>>, vector<1x640x16xf32>
    %get3A_15 = vector.shape_cast %get3A_14 : vector<1x640x16xf32> to vector<640x16xf32>
    %add3A = arith.addf %get3A_10, %get3A_15 : vector<640x16xf32>
    %slice3A = vector.extract_strided_slice %add3A {offsets = [0, 0], sizes = [640, 1], strides = [1, 1]} : vector<640x16xf32> to vector<640x1xf32>
    %add3A_16 = arith.constant 1.000000e+00 : f32
    %add3A_17 = vector.broadcast %add3A_16 : f32 to vector<640x1xf32>
    %add3A_18 = arith.addf %slice3A, %add3A_17 : vector<640x1xf32>
    %rsqrt3A = math.rsqrt %add3A_18 : vector<640x1xf32>
    %mul3A = vector.broadcast %rsqrt3A : vector<640x1xf32> to vector<640x64xf32>
    %mul3A_19 = arith.mulf %dot_general3A_5, %mul3A : vector<640x64xf32>
    %swap3A = arith.constant 0 : index
    %swap3A_20 = arith.constant 0 : index
    %swap3A_21 = vector.load %arg4[%swap3A, %swap3A_20] : memref<640x64xf32, #tpu.memory_space<vmem>>, vector<640x64xf32>
    tpu.vector_store %arg4[%swap3A, %swap3A_20], %mul3A_19 {strides = array<i32>} : memref<640x64xf32, #tpu.memory_space<vmem>>, vector<640x64xf32>,
    return
  }
  func.func @transform_0(%arg0: i32) -> (i32, i32) {
    %c0_i32 = arith.constant 0 : i32
    %c0_i32_0 = arith.constant 0 : i32
    return %arg0, %c0_i32 : i32, i32
  }
  func.func @transform_1(%arg0: i32) -> (i32, i32) {
    %c0_i32 = arith.constant 0 : i32
    %c0_i32_0 = arith.constant 0 : i32
    %c0_i32_1 = arith.constant 0 : i32
    return %c0_i32, %c0_i32_0 : i32, i32
  }
  func.func @transform_2(%arg0: i32) -> (i32, i32, i32) {
    %c0_i32 = arith.constant 0 : i32
    %c0_i32_0 = arith.constant 0 : i32
    %c0_i32_1 = arith.constant 0 : i32
    return %c0_i32, %arg0, %c0_i32_0 : i32, i32, i32
  }
  func.func @transform_3(%arg0: i32) -> (i32, i32) {
    %c0_i32 = arith.constant 0 : i32
    %c0_i32_0 = arith.constant 0 : i32
    return %arg0, %c0_i32 : i32, i32
  }
}

module attributes {stable_mosaic.version = 14 : i64} {
  func.func @_layer2_body(%arg0: i32, %arg1: memref<2x640x64xf32, #tpu.memory_space<vmem>>, %arg2: memref<640x64xf32, #tpu.memory_space<vmem>>, %arg3: memref<2x640x16xf32, #tpu.memory_space<vmem>>, %arg4: memref<1x64xf32, #tpu.memory_space<vmem>>, %arg5: memref<64x64xf32, #tpu.memory_space<vmem>>, %arg6: memref<640x64xf32, #tpu.memory_space<vmem>>) attributes {dimension_semantics = [#tpu.dimension_semantics<arbitrary>], iteration_bounds = array<i64: 16>, scalar_prefetch = 0 : i64, scratch_operands = 0 : i64, tpu.core_type = #tpu.core_type<tc>, window_params = [{transform_indices = @transform_0, window_bounds = array<i64: 2, 640, 64>}, {transform_indices = @transform_1, window_bounds = array<i64: 640, 64>}, {transform_indices = @transform_2, window_bounds = array<i64: 2, 640, 16>}, {pipeline_mode = #tpu.pipeline_mode<synchronous>, transform_indices = @transform_3, window_bounds = array<i64: 1, 64>}, {pipeline_mode = #tpu.pipeline_mode<synchronous>, transform_indices = @transform_4, window_bounds = array<i64: 64, 64>}, {transform_indices = @transform_5, window_bounds = array<i64: 640, 64>}]} {
    %get3A = arith.constant 0 : index
    %get3A_0 = arith.constant 0 : index
    %get3A_1 = arith.constant 0 : index
    %get3A_2 = vector.load %arg3[%get3A, %get3A_0, %get3A_1] : memref<2x640x16xf32, #tpu.memory_space<vmem>>, vector<1x640x16xf32>
    %get3A_3 = vector.shape_cast %get3A_2 : vector<1x640x16xf32> to vector<640x16xf32>
    %get3A_4 = arith.constant 1 : index
    %get3A_5 = arith.constant 0 : index
    %get3A_6 = arith.constant 0 : index
    %get3A_7 = vector.load %arg3[%get3A_4, %get3A_5, %get3A_6] : memref<2x640x16xf32, #tpu.memory_space<vmem>>, vector<1x640x16xf32>
    %get3A_8 = vector.shape_cast %get3A_7 : vector<1x640x16xf32> to vector<640x16xf32>
    %add3A = arith.addf %get3A_3, %get3A_8 : vector<640x16xf32>
    %slice3A = vector.extract_strided_slice %add3A {offsets = [0, 0], sizes = [640, 1], strides = [1, 1]} : vector<640x16xf32> to vector<640x1xf32>
    %add3A_9 = arith.constant 1.000000e+00 : f32
    %add3A_10 = vector.broadcast %add3A_9 : f32 to vector<640x1xf32>
    %add3A_11 = arith.addf %slice3A, %add3A_10 : vector<640x1xf32>
    %rsqrt3A = math.rsqrt %add3A_11 : vector<640x1xf32>
    %get3A_12 = arith.constant 0 : index
    %get3A_13 = arith.constant 0 : index
    %get3A_14 = vector.load %arg2[%get3A_12, %get3A_13] : memref<640x64xf32, #tpu.memory_space<vmem>>, vector<640x64xf32>
    %get3A_15 = arith.constant 0 : index
    %get3A_16 = arith.constant 0 : index
    %get3A_17 = arith.constant 0 : index
    %get3A_18 = vector.load %arg1[%get3A_15, %get3A_16, %get3A_17] : memref<2x640x64xf32, #tpu.memory_space<vmem>>, vector<1x640x64xf32>
    %get3A_19 = vector.shape_cast %get3A_18 : vector<1x640x64xf32> to vector<640x64xf32>
    %add3A_20 = arith.addf %get3A_14, %get3A_19 : vector<640x64xf32>
    %get3A_21 = arith.constant 1 : index
    %get3A_22 = arith.constant 0 : index
    %get3A_23 = arith.constant 0 : index
    %get3A_24 = vector.load %arg1[%get3A_21, %get3A_22, %get3A_23] : memref<2x640x64xf32, #tpu.memory_space<vmem>>, vector<1x640x64xf32>
    %get3A_25 = vector.shape_cast %get3A_24 : vector<1x640x64xf32> to vector<640x64xf32>
    %add3A_26 = arith.addf %add3A_20, %get3A_25 : vector<640x64xf32>
    %mul3A = vector.broadcast %rsqrt3A : vector<640x1xf32> to vector<640x64xf32>
    %mul3A_27 = arith.mulf %mul3A, %add3A_26 : vector<640x64xf32>
    %get3A_28 = arith.constant 0 : index
    %get3A_29 = arith.constant 0 : index
    %get3A_30 = vector.load %arg4[%get3A_28, %get3A_29] : memref<1x64xf32, #tpu.memory_space<vmem>>, vector<1x64xf32>
    %add3A_31 = vector.broadcast %get3A_30 : vector<1x64xf32> to vector<640x64xf32>
    %add3A_32 = arith.addf %mul3A_27, %add3A_31 : vector<640x64xf32>
    %ge3A = arith.constant 0.000000e+00 : f32
    %ge3A_33 = vector.broadcast %ge3A : f32 to vector<640x64xf32>
    %ge3A_34 = arith.cmpf oge, %add3A_32, %ge3A_33 : vector<640x64xf32>
    %mul3A_35 = arith.constant 0.00999999977 : f32
    %mul3A_36 = vector.broadcast %mul3A_35 : f32 to vector<640x64xf32>
    %mul3A_37 = arith.mulf %mul3A_36, %add3A_32 : vector<640x64xf32>
    %select_n3A = arith.select %ge3A_34, %add3A_32, %mul3A_37 : vector<640x64xi1>, vector<640x64xf32>
    %get3A_38 = arith.constant 0 : index
    %get3A_39 = arith.constant 0 : index
    %get3A_40 = vector.load %arg5[%get3A_38, %get3A_39] : memref<64x64xf32, #tpu.memory_space<vmem>>, vector<64x64xf32>
    %dot_general3A = arith.constant dense<0.000000e+00> : vector<640x64xf32>
    %dot_general3A_41 = tpu.matmul %select_n3A, %get3A_40, %dot_general3A {dimension_numbers = #tpu.dot_dimension_numbers<[1], [0], [0], [1], [0, 0, 1, 1], [], []>, transpose_lhs_hint = false} : vector<640x64xf32>, vector<64x64xf32>, vector<640x64xf32> -> vector<640x64xf32>
    %mul3A_42 = vector.broadcast %rsqrt3A : vector<640x1xf32> to vector<640x64xf32>
    %mul3A_43 = arith.mulf %dot_general3A_41, %mul3A_42 : vector<640x64xf32>
    %swap3A = arith.constant 0 : index
    %swap3A_44 = arith.constant 0 : index
    %swap3A_45 = vector.load %arg6[%swap3A, %swap3A_44] : memref<640x64xf32, #tpu.memory_space<vmem>>, vector<640x64xf32>
    tpu.vector_store %arg6[%swap3A, %swap3A_44], %mul3A_43 {strides = array<i32>} : memref<640x64xf32, #tpu.memory_space<vmem>>, vector<640x64xf32>,
    return
  }
  func.func @transform_0(%arg0: i32) -> (i32, i32, i32) {
    %c0_i32 = arith.constant 0 : i32
    %c0_i32_0 = arith.constant 0 : i32
    %c0_i32_1 = arith.constant 0 : i32
    return %c0_i32, %arg0, %c0_i32_0 : i32, i32, i32
  }
  func.func @transform_1(%arg0: i32) -> (i32, i32) {
    %c0_i32 = arith.constant 0 : i32
    %c0_i32_0 = arith.constant 0 : i32
    return %arg0, %c0_i32 : i32, i32
  }
  func.func @transform_2(%arg0: i32) -> (i32, i32, i32) {
    %c0_i32 = arith.constant 0 : i32
    %c0_i32_0 = arith.constant 0 : i32
    %c0_i32_1 = arith.constant 0 : i32
    return %c0_i32, %arg0, %c0_i32_0 : i32, i32, i32
  }
  func.func @transform_3(%arg0: i32) -> (i32, i32) {
    %c0_i32 = arith.constant 0 : i32
    %c0_i32_0 = arith.constant 0 : i32
    %c0_i32_1 = arith.constant 0 : i32
    return %c0_i32, %c0_i32_0 : i32, i32
  }
  func.func @transform_4(%arg0: i32) -> (i32, i32) {
    %c0_i32 = arith.constant 0 : i32
    %c0_i32_0 = arith.constant 0 : i32
    %c0_i32_1 = arith.constant 0 : i32
    return %c0_i32, %c0_i32_0 : i32, i32
  }
  func.func @transform_5(%arg0: i32) -> (i32, i32) {
    %c0_i32 = arith.constant 0 : i32
    %c0_i32_0 = arith.constant 0 : i32
    return %arg0, %c0_i32 : i32, i32
  }
}

module attributes {stable_mosaic.version = 14 : i64} {
  func.func @_final_body(%arg0: i32, %arg1: memref<2x640x64xf32, #tpu.memory_space<vmem>>, %arg2: memref<640x64xf32, #tpu.memory_space<vmem>>, %arg3: memref<2x640x16xf32, #tpu.memory_space<vmem>>, %arg4: memref<1x64xf32, #tpu.memory_space<vmem>>, %arg5: memref<64x4xf32, #tpu.memory_space<vmem>>, %arg6: memref<1x4xf32, #tpu.memory_space<vmem>>, %arg7: memref<640x4xf32, #tpu.memory_space<vmem>>) attributes {dimension_semantics = [#tpu.dimension_semantics<arbitrary>], iteration_bounds = array<i64: 16>, scalar_prefetch = 0 : i64, scratch_operands = 0 : i64, tpu.core_type = #tpu.core_type<tc>, window_params = [{transform_indices = @transform_0, window_bounds = array<i64: 2, 640, 64>}, {transform_indices = @transform_1, window_bounds = array<i64: 640, 64>}, {transform_indices = @transform_2, window_bounds = array<i64: 2, 640, 16>}, {pipeline_mode = #tpu.pipeline_mode<synchronous>, transform_indices = @transform_3, window_bounds = array<i64: 1, 64>}, {pipeline_mode = #tpu.pipeline_mode<synchronous>, transform_indices = @transform_4, window_bounds = array<i64: 64, 4>}, {pipeline_mode = #tpu.pipeline_mode<synchronous>, transform_indices = @transform_5, window_bounds = array<i64: 1, 4>}, {transform_indices = @transform_6, window_bounds = array<i64: 640, 4>}]} {
    %get3A = arith.constant 0 : index
    %get3A_0 = arith.constant 0 : index
    %get3A_1 = arith.constant 0 : index
    %get3A_2 = vector.load %arg3[%get3A, %get3A_0, %get3A_1] : memref<2x640x16xf32, #tpu.memory_space<vmem>>, vector<1x640x16xf32>
    %get3A_3 = vector.shape_cast %get3A_2 : vector<1x640x16xf32> to vector<640x16xf32>
    %get3A_4 = arith.constant 1 : index
    %get3A_5 = arith.constant 0 : index
    %get3A_6 = arith.constant 0 : index
    %get3A_7 = vector.load %arg3[%get3A_4, %get3A_5, %get3A_6] : memref<2x640x16xf32, #tpu.memory_space<vmem>>, vector<1x640x16xf32>
    %get3A_8 = vector.shape_cast %get3A_7 : vector<1x640x16xf32> to vector<640x16xf32>
    %add3A = arith.addf %get3A_3, %get3A_8 : vector<640x16xf32>
    %slice3A = vector.extract_strided_slice %add3A {offsets = [0, 0], sizes = [640, 1], strides = [1, 1]} : vector<640x16xf32> to vector<640x1xf32>
    %add3A_9 = arith.constant 1.000000e+00 : f32
    %add3A_10 = vector.broadcast %add3A_9 : f32 to vector<640x1xf32>
    %add3A_11 = arith.addf %slice3A, %add3A_10 : vector<640x1xf32>
    %rsqrt3A = math.rsqrt %add3A_11 : vector<640x1xf32>
    %get3A_12 = arith.constant 0 : index
    %get3A_13 = arith.constant 0 : index
    %get3A_14 = vector.load %arg2[%get3A_12, %get3A_13] : memref<640x64xf32, #tpu.memory_space<vmem>>, vector<640x64xf32>
    %get3A_15 = arith.constant 0 : index
    %get3A_16 = arith.constant 0 : index
    %get3A_17 = arith.constant 0 : index
    %get3A_18 = vector.load %arg1[%get3A_15, %get3A_16, %get3A_17] : memref<2x640x64xf32, #tpu.memory_space<vmem>>, vector<1x640x64xf32>
    %get3A_19 = vector.shape_cast %get3A_18 : vector<1x640x64xf32> to vector<640x64xf32>
    %add3A_20 = arith.addf %get3A_14, %get3A_19 : vector<640x64xf32>
    %get3A_21 = arith.constant 1 : index
    %get3A_22 = arith.constant 0 : index
    %get3A_23 = arith.constant 0 : index
    %get3A_24 = vector.load %arg1[%get3A_21, %get3A_22, %get3A_23] : memref<2x640x64xf32, #tpu.memory_space<vmem>>, vector<1x640x64xf32>
    %get3A_25 = vector.shape_cast %get3A_24 : vector<1x640x64xf32> to vector<640x64xf32>
    %add3A_26 = arith.addf %add3A_20, %get3A_25 : vector<640x64xf32>
    %mul3A = vector.broadcast %rsqrt3A : vector<640x1xf32> to vector<640x64xf32>
    %mul3A_27 = arith.mulf %mul3A, %add3A_26 : vector<640x64xf32>
    %get3A_28 = arith.constant 0 : index
    %get3A_29 = arith.constant 0 : index
    %get3A_30 = vector.load %arg4[%get3A_28, %get3A_29] : memref<1x64xf32, #tpu.memory_space<vmem>>, vector<1x64xf32>
    %add3A_31 = vector.broadcast %get3A_30 : vector<1x64xf32> to vector<640x64xf32>
    %add3A_32 = arith.addf %mul3A_27, %add3A_31 : vector<640x64xf32>
    %get3A_33 = arith.constant 0 : index
    %get3A_34 = arith.constant 0 : index
    %get3A_35 = vector.load %arg5[%get3A_33, %get3A_34] : memref<64x4xf32, #tpu.memory_space<vmem>>, vector<64x4xf32>
    %dot_general3A = arith.constant dense<0.000000e+00> : vector<640x4xf32>
    %dot_general3A_36 = tpu.matmul %add3A_32, %get3A_35, %dot_general3A {dimension_numbers = #tpu.dot_dimension_numbers<[1], [0], [0], [1], [0, 0, 1, 1], [], []>, transpose_lhs_hint = false} : vector<640x64xf32>, vector<64x4xf32>, vector<640x4xf32> -> vector<640x4xf32>
    %get3A_37 = arith.constant 0 : index
    %get3A_38 = arith.constant 0 : index
    %get3A_39 = vector.load %arg6[%get3A_37, %get3A_38] : memref<1x4xf32, #tpu.memory_space<vmem>>, vector<1x4xf32>
    %add3A_40 = vector.broadcast %get3A_39 : vector<1x4xf32> to vector<640x4xf32>
    %add3A_41 = arith.addf %dot_general3A_36, %add3A_40 : vector<640x4xf32>
    %swap3A = arith.constant 0 : index
    %swap3A_42 = arith.constant 0 : index
    %swap3A_43 = vector.load %arg7[%swap3A, %swap3A_42] : memref<640x4xf32, #tpu.memory_space<vmem>>, vector<640x4xf32>
    tpu.vector_store %arg7[%swap3A, %swap3A_42], %add3A_41 {strides = array<i32>} : memref<640x4xf32, #tpu.memory_space<vmem>>, vector<640x4xf32>,
    return
  }
  func.func @transform_0(%arg0: i32) -> (i32, i32, i32) {
    %c0_i32 = arith.constant 0 : i32
    %c0_i32_0 = arith.constant 0 : i32
    %c0_i32_1 = arith.constant 0 : i32
    return %c0_i32, %arg0, %c0_i32_0 : i32, i32, i32
  }
  func.func @transform_1(%arg0: i32) -> (i32, i32) {
    %c0_i32 = arith.constant 0 : i32
    %c0_i32_0 = arith.constant 0 : i32
    return %arg0, %c0_i32 : i32, i32
  }
  func.func @transform_2(%arg0: i32) -> (i32, i32, i32) {
    %c0_i32 = arith.constant 0 : i32
    %c0_i32_0 = arith.constant 0 : i32
    %c0_i32_1 = arith.constant 0 : i32
    return %c0_i32, %arg0, %c0_i32_0 : i32, i32, i32
  }
  func.func @transform_3(%arg0: i32) -> (i32, i32) {
    %c0_i32 = arith.constant 0 : i32
    %c0_i32_0 = arith.constant 0 : i32
    %c0_i32_1 = arith.constant 0 : i32
    return %c0_i32, %c0_i32_0 : i32, i32
  }
  func.func @transform_4(%arg0: i32) -> (i32, i32) {
    %c0_i32 = arith.constant 0 : i32
    %c0_i32_0 = arith.constant 0 : i32
    %c0_i32_1 = arith.constant 0 : i32
    return %c0_i32, %c0_i32_0 : i32, i32
  }
  func.func @transform_5(%arg0: i32) -> (i32, i32) {
    %c0_i32 = arith.constant 0 : i32
    %c0_i32_0 = arith.constant 0 : i32
    %c0_i32_1 = arith.constant 0 : i32
    return %c0_i32, %c0_i32_0 : i32, i32
  }
  func.func @transform_6(%arg0: i32) -> (i32, i32) {
    %c0_i32 = arith.constant 0 : i32
    %c0_i32_0 = arith.constant 0 : i32
    return %arg0, %c0_i32 : i32, i32
  }
}

</mosaic_0001>

<sc_bundles>
// kernel: kernel.11.cloned.1.call-start
scs
__scs_entry_jumppad:
0x0: {  	(pc) =	sbr.rel $0x88, $3  }
0x1: {  	(tag) =	ssettag $0x0;
	lr =	simm.s32 $0x1  }
0x2: {  	[smem:$0x3F99] =	sst lr;
	_ =	strace $0xD0000000  }
0x3: {  	_ = 	snop  }
0x4: {  	_ = 	snop  }
0x5: {  	_ = 	snop  }
0x6: {  	_ = 	snop  }
0x7: {  	_ = 	snop  }
__scs_overlays_trampoline_lowered:
0x8: {  	[smem:$0x3FA8] =	sst s0  }
0x9: {  	[smem:$0x3FA9] =	sst s1  }
0xa: {  	[smem:$0x3FAA] =	sst s2  }
0xb: {  	[smem:$0x3FAB] =	sst s3  }
0xc: {  	[smem:$0x3FAC] =	sst s4  }
0xd: {  	[smem:$0x3FAD] =	sst s5  }
0xe: {  	[smem:$0x3FAE] =	sst s6  }
0xf: {  	[smem:$0x3FAF] =	sst s7  }
0x10: {  	[smem:$0x3FB0] =	sst s8  }
0x11: {  	[smem:$0x3FB1] =	sst s9;
	s0 =	simm.s32 @!p0 $0x0  }
0x12: {  	s1 =	sld [smem:$0x3F97];
	s0 =	simm.s32 @p0 $0x1  }
0x13: {  	[smem:$0x3FB2] =	sst s0;
	s0 =	simm.s32 @!p1 $0x0  }
0x14: {  	s2 =	sld [smem:$0x3F96];
	s0 =	simm.s32 @p1 $0x1  }
0x15: {  	[smem:$0x3FB3] =	sst s0;
	s0 =	simm.s32 @!p2 $0x0  }
0x16: {  	s3 =	sld [smem:$0x3FDB];
	s0 =	simm.s32 @p2 $0x1  }
0x17: {  	s4 =	simm.s32 $0x1BF5;
	[smem:$0x3FB5] =	sst s0  }
0x18: {  	s0 =	sld [smem:$0x3F98];
	_ =	swait.ge [sflag:s4], $0x0  }
0x19: {  	s7 =	sld [smem:$0x3F99]  }
0x1a: {  	s8 =	sadd.s32 $0xFFFFE003, lr  }
0x1b: {  	s9 =	sadd.s32 $0xFFFFFEF7, lr;
	s5 =	simm.s32 $0xFFFFFFFF;
	p2 =	slt.u32 s8, $0xFFFFF086  }
0x1c: {  	p1 =	slt.u32 s9, $0xF7A;
	s5 =	simm.s32 @!p2 $0x0  }
0x1d: {  	s5 =	simm.s32 @p1 $0x1;
	p0 =	seq.s32 s7, s2  }
0x1e: {  	s7 =	smul.u32 @!p0 $0xF7A, s2;
	p2 =	seq.s32 @!p0 s5, $0x0  }
0x1f: {  	s9 =	smul.u32 $0xF7A, s1;
	s8 =	simm.s32 @!p0 $0x1BF5;
	p2 =	por !p2, p0  }
0x20: {  	[sflag:s8] =	ssyncset.s32 @!p0 $0xFFFFF086;
	s6 =	sadd.s32 @!p0 s3, s7;
	s7 =	simm.s32 @!p0 $0x108  }
0x21: {  	s3 =	sadd.s32 s3, s9;
	s6 =	sadd.s32 @!p0 $0x88, s6;
	s7 =	simm.s32 @p2 $0x1082  }
0x22: {  	[simem:s7], [sflag:s8] =	dma.local @!p0 [hbm:s6], $0xF7A  }
0x23: {  	s9 =	sor.u32 $0xD0000000, s2;
	s6 =	simm.s32 $0x108;
	_ =	swait.ge @!p0 [sflag:s8], $0x0  }
0x24: {  	s3 =	sadd.s32 $0x88, s3;
	s6 =	simm.s32 @!p1 $0x1082;
	[sflag:s4] =	ssyncset.s32 $0xFFFFF086  }
0x25: {  	[simem:s6], [sflag:s4] =	dma.local [hbm:s3], $0xF7A  }
0x26: {  	[smem:$0x3F99] =	sst s1;
	(tag) =	ssettag s2;
	_ =	strace s9  }
0x27: {  	s1 =	sld [smem:$0x3FA9]  }
0x28: {  	s2 =	sld [smem:$0x3FAA]  }
0x29: {  	s4 =	sld [smem:$0x3FAC]  }
0x2a: {  	p0 =	seq.s32 s5, $0x0;
	s5 =	sld [smem:$0x3FAD]  }
0x2b: {  	s6 =	sld [smem:$0x3FAE]  }
0x2c: {  	s7 =	sld [smem:$0x3FAF]  }
0x2d: {  	s3 =	simm.s32 $0x108;
	s8 =	sld [smem:$0x3FB0]  }
0x2e: {  	s3 =	simm.s32 @!p0 $0x1082;
	s9 =	sld [smem:$0x3FB1]  }
0x2f: {  	lr =	sadd.s32 s0, s3;
	s0 =	sld [smem:$0x3FA8]  }
0x30: {  	s3 =	sld [smem:$0x3FAB]  }
0x31: {  	[smem:$0x3FB4] =	sst s10  }
0x32: {  	s10 =	sld [smem:$0x3FB2];
	_ =	sdelay $0x3  }
0x33: {  	p0 =	seq.s32 s10, $0x1;
	s10 =	sld [smem:$0x3FB4];
	_ =	sdelay $0x3  }
0x34: {  	[smem:$0x3FB4] =	sst s10  }
0x35: {  	s10 =	sld [smem:$0x3FB3];
	_ =	sdelay $0x3  }
0x36: {  	p1 =	seq.s32 s10, $0x1;
	s10 =	sld [smem:$0x3FB4];
	_ =	sdelay $0x3  }
0x37: {  	[smem:$0x3FB4] =	sst s10  }
0x38: {  	s10 =	sld [smem:$0x3FB5]  }
0x39: {  	_ = 	snop;
	(pc) =	sbr.ind lr, $3  }
0x3a: {  	_ = 	snop  }
0x3b: {  	_ = 	snop  }
0x3c: {  	p2 =	seq.s32 s10, $0x1;
	s10 =	sld [smem:$0x3FB4]  }
0x3d: {  	_ =	shalt  }
0x3e: {  	_ =	shalt  }
0x3f: {  	_ =	shalt  }
0x40: {  	_ =	shalt  }
0x41: {  	_ =	shalt  }
0x42: {  	_ =	shalt  }
0x43: {  	_ =	shalt  }
0x44: {  	_ =	shalt  }
0x45: {  	_ =	shalt  }
0x46: {  	_ =	shalt  }
0x47: {  	_ =	shalt  }
0x48: {  	_ =	shalt  }
0x49: {  	_ =	shalt  }
0x4a: {  	_ =	shalt  }
0x4b: {  	_ =	shalt  }
0x4c: {  	_ =	shalt  }
0x4d: {  	_ =	shalt  }
0x4e: {  	_ =	shalt  }
0x4f: {  	_ =	shalt  }
0x50: {  	_ =	shalt  }
0x51: {  	_ =	shalt  }
0x52: {  	_ =	shalt  }
0x53: {  	_ =	shalt  }
0x54: {  	_ =	shalt  }
0x55: {  	_ =	shalt  }
0x56: {  	_ =	shalt  }
0x57: {  	_ =	shalt  }
0x58: {  	_ =	shalt  }
0x59: {  	_ =	shalt  }
0x5a: {  	_ =	shalt  }
0x5b: {  	_ =	shalt  }
0x5c: {  	_ =	shalt  }
0x5d: {  	_ =	shalt  }
0x5e: {  	_ =	shalt  }
0x5f: {  	_ =	shalt  }
0x60: {  	_ =	shalt  }
0x61: {  	_ =	shalt  }
0x62: {  	_ =	shalt  }
0x63: {  	_ =	shalt  }
0x64: {  	_ =	shalt  }
0x65: {  	_ =	shalt  }
0x66: {  	_ =	shalt  }
0x67: {  	_ =	shalt  }
0x68: {  	_ =	shalt  }
0x69: {  	_ =	shalt  }
0x6a: {  	_ =	shalt  }
0x6b: {  	_ =	shalt  }
0x6c: {  	_ =	shalt  }
0x6d: {  	_ =	shalt  }
0x6e: {  	_ =	shalt  }
0x6f: {  	_ =	shalt  }
0x70: {  	_ =	shalt  }
0x71: {  	_ =	shalt  }
0x72: {  	_ =	shalt  }
0x73: {  	_ =	shalt  }
0x74: {  	_ =	shalt  }
0x75: {  	_ =	shalt  }
0x76: {  	_ =	shalt  }
0x77: {  	_ =	shalt  }
0x78: {  	_ =	shalt  }
0x79: {  	_ =	shalt  }
0x7a: {  	_ =	shalt  }
0x7b: {  	_ =	shalt  }
0x7c: {  	_ =	shalt  }
0x7d: {  	_ =	shalt  }
0x7e: {  	_ =	shalt  }
0x7f: {  	_ =	shalt  }
0x80: {  	_ =	shalt  }
0x81: {  	_ =	shalt  }
0x82: {  	_ =	shalt  }
0x83: {  	_ =	shalt  }
0x84: {  	_ =	shalt  }
0x85: {  	_ =	shalt  }
0x86: {  	_ =	shalt  }
0x87: {  	_ =	shalt  }
.Lfunc_end0:
.L_simem_size_0:
called_computation.1_lowered:
.L_overlay_start_0:
0x88: {  	s2 =	sld [smem:$0x3FD9]  }
0x89: {  	s3 =	sld [smem:$0x3FFE];
	_ =	sdelay $0x1  }
0x8a: {  	s1 =	srdreg.scid  }
0x8b: {  	s0 =	sand.u32 $0x1, s1  }
0x8c: {  	s16 =	sshll.u32 s0, $0xA;
	s2 =	sadd.s32 s3, s2  }
0x8d: {  	s2 =	sadd.s32 s2, s16  }
0x8e: {  	[smem:$0x3FC0] =	sst s2  }
0x8f: {  	_ = 	snop  }
0x90: {  	(tm) =	ssettm $0x1  }
0x91: {  	s17 =	sld [smem:$0x3FFB];
	_ =	sdelay $0x3  }
0x92: {  	_ =	strace s17  }
0x93: {  	s2 =	sld [smem:$0x3FFC];
	_ =	sdelay $0x3  }
0x94: {  	_ =	strace s2  }
0x95: {  	s2 =	sld [smem:$0x3FFD];
	_ =	sdelay $0x3  }
0x96: {  	_ =	strace s2  }
0x97: {  	_ =	strace $0x8FFFFFFF  }
0x98: {  	s18 =	sld [smem:$0x3FDB];
	_ =	sdelay $0x1  }
0x99: {  	s19 =	simm.s32 $_scs_section_size  }
0x9a: {  	s4 =	simm.s32 $_size__tile_overlayer_lowered;
	s5 =	simm.s32 $_tile_overlayer_lowered  }
0x9b: {  	s22 =	simm.s32 $0x1BFF;
	s21 =	sshll.u32 s5, $0x1;
	s2 =	sadd.s32 s19, s18  }
0x9c: {  	s6 =	simm.s32 $0x0;
	s20 =	sshll.u32 s4, $0x1;
	s4 =	sadd.s32 s21, s2  }
0x9d: {  	[timem:s6], [sflag:s22] =	dma.local [hbm:s4], s20  }
0x9e: {  	_ =	swait.ge [sflag:s22], s20  }
0x9f: {  	s3 =	ssub.s32 $0x0, s20;
	[sflag:s22] =	ssyncset.done $0x0  }
0xa0: {  	[sflag:s22] =	ssyncadd.s32 s3;
	_ =	sdelay $0x1  }
0xa1: {  	s23 =	simm.s32 $0x1B8B  }
0xa2: {  	_ =	swait.ge [sflag:s23], $0x1  }
0xa3: {  	[sflag:s23] =	ssyncset.done $0x0  }
0xa4: {  	s25 =	simm.s32 $0x1B8E;
	s24 =	sld [smem:$0x3FFE];
	[sflag:s23] =	ssyncadd.s32 $0xFFFFFFFF  }
0xa5: {  	s26 =	simm.s32 $execute0_lowered;
	[smem:$0x3FD2] =	sst s25  }
0xa6: {  	s4 =	sshll.u32 s26, $0x1;
	_ =	strace $0x80000049;
	[dreg:$0x1] =	wrdreg $0xFFFFFFFF  }
0xa7: {  	s28 =	simm.s32 $_size_execute0_lowered;
	s2 =	sadd.s32 s2, s4;
	[dreg:$0x0] =	wrdreg $0x0  }
0xa8: {  	s4 =	sshll.u32 s28, $0x1;
	[dreg:$0x2] =	wrdreg s2  }
0xa9: {  	[dreg:$0x3] =	wrdreg s4  }
0xaa: {  	[dreg:$0x4] =	wrdreg $0xC0  }
0xab: {  	_ =	task [dreg:s6], $0x5FFFF  }
0xac: {  	[dreg:$0x1] =	wrdreg $0xFFFFFFFF  }
0xad: {  	[dreg:$0x0] =	wrdreg $0x60  }
0xae: {  	[dreg:$0x2] =	wrdreg s24  }
0xaf: {  	[dreg:$0x3] =	wrdreg $0x130000  }
0xb0: {  	[dreg:$0x4] =	wrdreg $0x90000  }
0xb1: {  	[dreg:$0x5] =	wrdreg $0x9  }
0xb2: {  	_ =	task.clear_ibuf [dreg:s6], $0x6FFFF;
	_ =	strace $0x90000049  }
0xb3: {  	s29 =	simm.s32 $0x9;
	_ =	strace $0x8000004B  }
0xb4: {  	_ =	swait.ge [sflag:s29], $0x1  }
0xb5: {  	[sflag:s29] =	ssyncadd.s32 $0xFFFFFFFF  }
0xb6: {  	_ =	strace $0x9000004B  }
0xb7: {  	_ =	sfence  }
0xb8: {  	s30 =	sld [smem:$0x0];
	_ =	sdelay $0x2  }
0xb9: {  	s31 =	sshll.u32 s1, $0xD;
	s1 =	sshrl.u32 s1, $0x2  }
0xba: {  	s3 =	sand.u32 $0x4000, s31;
	s1 =	sadd.s32 s1, s30  }
0xbb: {  	s0 =	sor.u32 s3, s0;
	s1 =	sshll.u32 s1, $0x11  }
0xbc: {  	s0 =	sor.u32 s1, s0  }
0xbd: {  	s0 =	sadd.s32 $0x8F2B, s0  }
0xbe: {  	[sflag:s0] =	ssyncadd.remote.s32 $0x1  }
0xbf: {  	_ =	sfence.sel $0xFFFF  }
0xc0: {  	[dreg:$0x0] =	wrdreg $0xFFFFFFFF;
	(pc) =	sbr.abs _section_cstart, $3  }
0xc1: {  	[dreg:$0x1] =	wrdreg $0xFFFFFFFF  }
0xc2: {  	_ =	task.clear_ibuf [dreg:s6], $0x2FFFF;
	_ =	strace $0x9FFFFFFF  }
0xc3: {  	(tm) =	ssettm $0x7FFFFFFF  }
tec
execute0_lowered:
.L_overlay_start_1:
0x0: {  	(tag) =	ssettag $0x1  }
0x1: {  	s6 =	rddreg [dreg:$0x0]  }
0x2: {  	s2 =	rddreg [dreg:$0x1]  }
0x3: {  	s0 =	srdreg.scid;
	s3 =	rddreg [dreg:$0x2];
	s4 =	simm.s32 $0x0  }
0x4: {  	s16 =	simm.s32 $0x80;
	s17 =	simm.s32 $0x5000;
	s18 =	simm.s32 $0x7000  }
0x5: {  	s19 =	simm.s32 $0x3;
	s20 =	simm.s32 $0x2;
	s21 =	simm.s32 $0x4F00  }
0x6: {  	s22 =	simm.s32 $0x4F80;
	s5 =	sand.u32 $0x1, s0;
	s0 =	stileid.u32  }
0x7: {  	s24 =	simm.s32 $0x0;
	[smem:$0x7FF] =	sst s4;
	s7 =	smul.u32 $0xA000, s0  }
0x8: {  	s1 =	sshll.u32 s5, $0x4;
	s10 =	smul.u32 $0xA0000, s5;
	s31 =	ssub.s32 $0x2, s5  }
0x9: {  	s5 =	sadd.s32 $0xBE00, s6;
	s23 =	sshll.u32 s0, $0x6;
	s8 =	sor.u32 s0, s1  }
0xa: {  	s1 =	rddreg [dreg:$0x3];
	_ =	strace $0x8000004A;
	s12 =	sshrl.u32 s31, $0x1  }
0xb: {  	s8 =	smul.u32 $0x500, s8;
	s9 =	sshrl.u32 s7, $0x3;
	s30 =	sadd.s32 s7, s10  }
0xc: {  	s12 =	ssub.s32 s31, s12;
	s14 =	sadd.s32 s7, s2;
	s15 =	sadd.s32 s7, s3  }
0xd: {  	s9 =	sadd.s32 s9, s6;
	s11 =	sadd.s32 s8, s6;
	s8 =	sshrl.u32 s30, $0x3  }
0xe: {  	s7 =	sadd.s32 $0x97E00, s9;
	s13 =	sadd.s32 s8, s6;
	s6 =	sor.u32 $0x1C01, s23  }
0xf: {  	s8 =	sadd.s32 $0x15E00, s11;
	s9 =	sadd.s32 $0x1E00, s11;
	s11 =	smax.u32 s12, $0x1  }
0x10: {  	s12 =	sshrl.u32 s14, $0x3;
	s14 =	simm.s32 $0x2800;
	s23 =	sor.u32 $0x1C03, s23  }
0x11: {  	s10 =	sadd.s32 $0xABE00, s13;
	s13 =	sshrl.u32 s15, $0x3;
	s15 =	simm.s32 $0x1  }
.LBB2_1:
0x12: {  	[spmem:s12], [sflag:s6] =	dma.local [hbm:s5], $0x1400  }
0x13: {  	[spmem:s13], [sflag:s6] =	dma.local [hbm:s7], $0x1400  }
0x14: {  	[tilespmem:s4], [sflag:$0x1] =	stream.linear.gather [hbm4b:s8+s4], $0x2800, $0x38;
	[tilespmem:$0x1D000] =	vst v63  }
0x15: {  	_ = 	snop  }
0x16: {  	[tilespmem:s14], [sflag:$0x1] =	stream.linear.gather [hbm4b:s9+s4], $0x2800, $0x38;
	[tilespmem:$0x1D000] =	vst v63  }
0x17: {  	_ =	swait.ge [sflag:s15], $0x1400  }
0x18: {  	[sflag:s15] =	ssyncset.done $0x0  }
0x19: {  	[sflag:s15] =	ssyncadd.s32 $0xFFFFEC00  }
0x1a: {  	_ =	swait.ge [sflag:s15], $0x1400  }
0x1b: {  	[sflag:s15] =	ssyncset.done $0x0  }
0x1c: {  	[sflag:s15] =	ssyncadd.s32 $0xFFFFEC00  }
0x1d: {  	_ =	swait.ge [sflag:s15], $0x2800  }
0x1e: {  	[sflag:s15] =	ssyncset.done $0x0  }
0x1f: {  	[sflag:s15] =	ssyncadd.s32 $0xFFFFD800  }
0x20: {  	_ =	swait.ge [sflag:s15], $0x2800  }
0x21: {  	[sflag:s15] =	ssyncset.done $0x0  }
0x22: {  	[sflag:s15] =	ssyncadd.s32 $0xFFFFD800  }
0x23: {  	[bflag:$0x0] =	sbarrier.arrive $0xFFFF  }
0x24: {  	[tilespmem:s17], [sflag:$0x1] =	stream.indirect.gather [spmem:s3], $0x40, s4, s16, $0xb8;
	[tilespmem:$0x1D000] =	vst v63  }
0x25: {  	_ = 	snop  }
0x26: {  	[tilespmem:s18], [sflag:$0x2] =	stream.indirect.gather [spmem:s3], $0x40, s16, s16, $0xb8;
	[tilespmem:$0x1D000] =	vst v63  }
0x27: {  	_ =	swait.ge [sflag:s15], $0x2000  }
0x28: {  	[sflag:s15] =	ssyncset.done $0x0  }
0x29: {  	s25 =	simm.s32 $0x2800;
	[sflag:s15] =	ssyncadd.s32 $0xFFFFE000  }
0x2a: {  	[spmem:s2] =	stream.indirect.scatter.add.f32 [tilespmem:s17], [sflag:$0x3], $0x40, s25, s16, $0xb8;
	[tilespmem:$0x1D000] =	vst v63  }
0x2b: {  	_ =	swait.ge [sflag:s19], $0x2000  }
0x2c: {  	[sflag:s19] =	ssyncset.done $0x0  }
0x2d: {  	s30 =	simm.s32 $0x100;
	[sflag:s19] =	ssyncadd.s32 $0xFFFFE000  }
0x2e: {  	[tilespmem:s17], [sflag:$0x1] =	stream.indirect.gather [spmem:s3], $0x40, s30, s16, $0xb8;
	[tilespmem:$0x1D000] =	vst v63  }
0x2f: {  	_ =	swait.ge [sflag:s20], $0x2000  }
0x30: {  	[sflag:s20] =	ssyncset.done $0x0  }
0x31: {  	s31 =	simm.s32 $0x2880;
	[sflag:s20] =	ssyncadd.s32 $0xFFFFE000  }
0x32: {  	[spmem:s2] =	stream.indirect.scatter.add.f32 [tilespmem:s18], [sflag:$0x3], $0x40, s31, s16, $0xb8;
	[tilespmem:$0x1D000] =	vst v63  }
0x33: {  	_ =	swait.ge [sflag:s19], $0x2000  }
0x34: {  	[sflag:s19] =	ssyncset.done $0x0  }
0x35: {  	s26 =	simm.s32 $0x180;
	s25 =	simm.s32 $0x400;
	[sflag:s19] =	ssyncadd.s32 $0xFFFFE000  }
.LBB2_2:
0x36: {  	[tilespmem:s18], [sflag:$0x2] =	stream.indirect.gather [spmem:s3], $0x40, s26, s16, $0xb8;
	[tilespmem:$0x1D000] =	vst v63  }
0x37: {  	s26 =	smov.u32 s25  }
0x38: {  	p0 =	sne.s32 s25, $0x9800;
	s25 =	sadd.s32 $0x400, s25;
	_ =	swait.ge [sflag:s15], $0x2000  }
0x39: {  	s26 =	sshra.s32 s26, $0x2;
	[sflag:s15] =	ssyncset.done $0x0  }
0x3a: {  	s28 =	sadd.s32 $0x2800, s26;
	[sflag:s15] =	ssyncadd.s32 $0xFFFFE000  }
0x3b: {  	[spmem:s2] =	stream.indirect.scatter.add.f32 [tilespmem:s17], [sflag:$0x3], $0x40, s28, s16, $0xb8;
	[tilespmem:$0x1D000] =	vst v63  }
0x3c: {  	_ =	swait.ge [sflag:s19], $0x2000  }
0x3d: {  	[sflag:s19] =	ssyncset.done $0x0  }
0x3e: {  	s28 =	sadd.s32 $0x100, s26;
	[sflag:s19] =	ssyncadd.s32 $0xFFFFE000  }
0x3f: {  	[tilespmem:s17], [sflag:$0x1] =	stream.indirect.gather [spmem:s3], $0x40, s28, s16, $0xb8;
	[tilespmem:$0x1D000] =	vst v63  }
0x40: {  	_ =	swait.ge [sflag:s20], $0x2000  }
0x41: {  	[sflag:s20] =	ssyncset.done $0x0  }
.Ltmp0:
0x42: {  	s28 =	sadd.s32 $0x2880, s26;
	[sflag:s20] =	ssyncadd.s32 $0xFFFFE000;
	(pc) =	sbr.rel @p0 .LBB2_2-.Ltmp0, $4  }
0x43: {  	[spmem:s2] =	stream.indirect.scatter.add.f32 [tilespmem:s18], [sflag:$0x3], $0x40, s28, s16, $0xb8;
	[tilespmem:$0x1D000] =	vst v63  }
0x44: {  	_ =	swait.ge [sflag:s19], $0x2000  }
0x45: {  	[sflag:s19] =	ssyncset.done $0x0  }
0x46: {  	s26 =	sadd.s32 $0x180, s26;
	[sflag:s19] =	ssyncadd.s32 $0xFFFFE000  }
0x47: {  	[tilespmem:s18], [sflag:$0x2] =	stream.indirect.gather [spmem:s3], $0x40, s26, s16, $0xb8;
	[tilespmem:$0x1D000] =	vst v63  }
0x48: {  	_ =	swait.ge [sflag:s15], $0x2000  }
0x49: {  	[sflag:s15] =	ssyncset.done $0x0  }
0x4a: {  	[sflag:s15] =	ssyncadd.s32 $0xFFFFE000  }
0x4b: {  	[spmem:s2] =	stream.indirect.scatter.add.f32 [tilespmem:s17], [sflag:$0x3], $0x40, s21, s16, $0xb8;
	[tilespmem:$0x1D000] =	vst v63  }
0x4c: {  	_ =	swait.ge [sflag:s19], $0x2000  }
0x4d: {  	[sflag:s19] =	ssyncset.done $0x0  }
0x4e: {  	[sflag:s19] =	ssyncadd.s32 $0xFFFFE000  }
0x4f: {  	_ =	swait.ge [sflag:s20], $0x2000  }
0x50: {  	[sflag:s20] =	ssyncset.done $0x0  }
0x51: {  	[sflag:s20] =	ssyncadd.s32 $0xFFFFE000  }
0x52: {  	[spmem:s2] =	stream.indirect.scatter.add.f32 [tilespmem:s18], [sflag:$0x3], $0x40, s22, s16, $0xb8;
	[tilespmem:$0x1D000] =	vst v63  }
0x53: {  	_ =	swait.ge [sflag:s19], $0x2000  }
0x54: {  	s24 =	sadd.s32 $0x1, s24;
	[sflag:s19] =	ssyncset.done $0x0  }
0x55: {  	p0 =	sne.s32 s24, s11;
	[sflag:s19] =	ssyncadd.s32 $0xFFFFE000  }
.Ltmp1:
0x56: {  	[bflag:$0x0] =	sbarrier.arrive $0xFFFF;
	(pc) =	sbr.rel @p0 .LBB2_1-.Ltmp1, $4  }
0x57: {  	[hbm:s10], [sflag:s23] =	dma.local [spmem:s12], $0x1400  }
0x58: {  	_ =	swait.ge [sflag:s19], $0x1400  }
0x59: {  	[sflag:s19] =	ssyncset.done $0x0  }
0x5a: {  	[sflag:s19] =	ssyncadd.s32 $0xFFFFEC00  }
0x5b: {  	_ =	sfence.sel $0x180000  }
0x5c: {  	[bflag:$0x0] =	sbarrier.arrive $0xFFFF  }
0x5d: {  	p0 =	sne.s32 s0, $0x0;
	_ =	strace $0x9000004A  }
0x5e: {  	s0 =	sadd.s32 @!p0 $0x100000, s1;
	[bflag:$0x2] =	sbarrier.arrive $0xFFFF  }
0x5f: {  	[sflag:s0] =	ssyncadd.tile.s32 @!p0 $0x1;
	_ =	shalt  }
.Lfunc_end2:
_tile_overlayer_lowered:
.L_overlay_start_2:
0x60: {  	(tag) =	ssettag $0x2  }
0x61: {  	s0 =	rddreg [dreg:$0x0];
	s2 =	stileid.u32  }
0x62: {  	s1 =	rddreg [dreg:$0x1];
	p0 =	sne.s32 s2, $0x0  }
0x63: {  	s3 =	rddreg [dreg:$0x2];
	[bflag:$0x3] =	sbarrier.arrive $0xFFFF;
	s2 =	simm.s32 @!p0 $0x1C03  }
0x64: {  	[timem:s3], [sflag:s2] =	dma.local @!p0 [hbm:s0], s1  }
0x65: {  	s0 =	simm.s32 @!p0 $0x3  }
0x66: {  	_ =	swait.ge @!p0 [sflag:s0], s1  }
0x67: {  	s1 =	ssub.s32 @!p0 $0x0, s1;
	[sflag:s0] =	ssyncset.done @!p0 $0x0  }
0x68: {  	[sflag:s0] =	ssyncadd.s32 @!p0 s1  }
0x69: {  	[bflag:$0x3] =	sbarrier.arrive $0xFFFF  }
0x6a: {  	_ =	shalt  }

// kernel: kernel.14.cloned.1.call-start
scs
__scs_entry_jumppad:
0x0: {  	(pc) =	sbr.rel $0x88, $3  }
0x1: {  	(tag) =	ssettag $0x0;
	lr =	simm.s32 $0x1  }
0x2: {  	[smem:$0x3F99] =	sst lr;
	_ =	strace $0xD0000000  }
0x3: {  	_ = 	snop  }
0x4: {  	_ = 	snop  }
0x5: {  	_ = 	snop  }
0x6: {  	_ = 	snop  }
0x7: {  	_ = 	snop  }
__scs_overlays_trampoline_lowered:
0x8: {  	[smem:$0x3FA8] =	sst s0  }
0x9: {  	[smem:$0x3FA9] =	sst s1  }
0xa: {  	[smem:$0x3FAA] =	sst s2  }
0xb: {  	[smem:$0x3FAB] =	sst s3  }
0xc: {  	[smem:$0x3FAC] =	sst s4  }
0xd: {  	[smem:$0x3FAD] =	sst s5  }
0xe: {  	[smem:$0x3FAE] =	sst s6  }
0xf: {  	[smem:$0x3FAF] =	sst s7  }
0x10: {  	[smem:$0x3FB0] =	sst s8  }
0x11: {  	[smem:$0x3FB1] =	sst s9;
	s0 =	simm.s32 @!p0 $0x0  }
0x12: {  	s1 =	sld [smem:$0x3F97];
	s0 =	simm.s32 @p0 $0x1  }
0x13: {  	[smem:$0x3FB2] =	sst s0;
	s0 =	simm.s32 @!p1 $0x0  }
0x14: {  	s2 =	sld [smem:$0x3F96];
	s0 =	simm.s32 @p1 $0x1  }
0x15: {  	[smem:$0x3FB3] =	sst s0;
	s0 =	simm.s32 @!p2 $0x0  }
0x16: {  	s3 =	sld [smem:$0x3FDB];
	s0 =	simm.s32 @p2 $0x1  }
0x17: {  	s4 =	simm.s32 $0x1BF5;
	[smem:$0x3FB5] =	sst s0  }
0x18: {  	s0 =	sld [smem:$0x3F98];
	_ =	swait.ge [sflag:s4], $0x0  }
0x19: {  	s7 =	sld [smem:$0x3F99]  }
0x1a: {  	s8 =	sadd.s32 $0xFFFFE003, lr  }
0x1b: {  	s9 =	sadd.s32 $0xFFFFFEF7, lr;
	s5 =	simm.s32 $0xFFFFFFFF;
	p2 =	slt.u32 s8, $0xFFFFF086  }
0x1c: {  	p1 =	slt.u32 s9, $0xF7A;
	s5 =	simm.s32 @!p2 $0x0  }
0x1d: {  	s5 =	simm.s32 @p1 $0x1;
	p0 =	seq.s32 s7, s2  }
0x1e: {  	s7 =	smul.u32 @!p0 $0xF7A, s2;
	p2 =	seq.s32 @!p0 s5, $0x0  }
0x1f: {  	s9 =	smul.u32 $0xF7A, s1;
	s8 =	simm.s32 @!p0 $0x1BF5;
	p2 =	por !p2, p0  }
0x20: {  	[sflag:s8] =	ssyncset.s32 @!p0 $0xFFFFF086;
	s6 =	sadd.s32 @!p0 s3, s7;
	s7 =	simm.s32 @!p0 $0x108  }
0x21: {  	s3 =	sadd.s32 s3, s9;
	s6 =	sadd.s32 @!p0 $0x88, s6;
	s7 =	simm.s32 @p2 $0x1082  }
0x22: {  	[simem:s7], [sflag:s8] =	dma.local @!p0 [hbm:s6], $0xF7A  }
0x23: {  	s9 =	sor.u32 $0xD0000000, s2;
	s6 =	simm.s32 $0x108;
	_ =	swait.ge @!p0 [sflag:s8], $0x0  }
0x24: {  	s3 =	sadd.s32 $0x88, s3;
	s6 =	simm.s32 @!p1 $0x1082;
	[sflag:s4] =	ssyncset.s32 $0xFFFFF086  }
0x25: {  	[simem:s6], [sflag:s4] =	dma.local [hbm:s3], $0xF7A  }
0x26: {  	[smem:$0x3F99] =	sst s1;
	(tag) =	ssettag s2;
	_ =	strace s9  }
0x27: {  	s1 =	sld [smem:$0x3FA9]  }
0x28: {  	s2 =	sld [smem:$0x3FAA]  }
0x29: {  	s4 =	sld [smem:$0x3FAC]  }
0x2a: {  	p0 =	seq.s32 s5, $0x0;
	s5 =	sld [smem:$0x3FAD]  }
0x2b: {  	s6 =	sld [smem:$0x3FAE]  }
0x2c: {  	s7 =	sld [smem:$0x3FAF]  }
0x2d: {  	s3 =	simm.s32 $0x108;
	s8 =	sld [smem:$0x3FB0]  }
0x2e: {  	s3 =	simm.s32 @!p0 $0x1082;
	s9 =	sld [smem:$0x3FB1]  }
0x2f: {  	lr =	sadd.s32 s0, s3;
	s0 =	sld [smem:$0x3FA8]  }
0x30: {  	s3 =	sld [smem:$0x3FAB]  }
0x31: {  	[smem:$0x3FB4] =	sst s10  }
0x32: {  	s10 =	sld [smem:$0x3FB2];
	_ =	sdelay $0x3  }
0x33: {  	p0 =	seq.s32 s10, $0x1;
	s10 =	sld [smem:$0x3FB4];
	_ =	sdelay $0x3  }
0x34: {  	[smem:$0x3FB4] =	sst s10  }
0x35: {  	s10 =	sld [smem:$0x3FB3];
	_ =	sdelay $0x3  }
0x36: {  	p1 =	seq.s32 s10, $0x1;
	s10 =	sld [smem:$0x3FB4];
	_ =	sdelay $0x3  }
0x37: {  	[smem:$0x3FB4] =	sst s10  }
0x38: {  	s10 =	sld [smem:$0x3FB5]  }
0x39: {  	_ = 	snop;
	(pc) =	sbr.ind lr, $3  }
0x3a: {  	_ = 	snop  }
0x3b: {  	_ = 	snop  }
0x3c: {  	p2 =	seq.s32 s10, $0x1;
	s10 =	sld [smem:$0x3FB4]  }
0x3d: {  	_ =	shalt  }
0x3e: {  	_ =	shalt  }
0x3f: {  	_ =	shalt  }
0x40: {  	_ =	shalt  }
0x41: {  	_ =	shalt  }
0x42: {  	_ =	shalt  }
0x43: {  	_ =	shalt  }
0x44: {  	_ =	shalt  }
0x45: {  	_ =	shalt  }
0x46: {  	_ =	shalt  }
0x47: {  	_ =	shalt  }
0x48: {  	_ =	shalt  }
0x49: {  	_ =	shalt  }
0x4a: {  	_ =	shalt  }
0x4b: {  	_ =	shalt  }
0x4c: {  	_ =	shalt  }
0x4d: {  	_ =	shalt  }
0x4e: {  	_ =	shalt  }
0x4f: {  	_ =	shalt  }
0x50: {  	_ =	shalt  }
0x51: {  	_ =	shalt  }
0x52: {  	_ =	shalt  }
0x53: {  	_ =	shalt  }
0x54: {  	_ =	shalt  }
0x55: {  	_ =	shalt  }
0x56: {  	_ =	shalt  }
0x57: {  	_ =	shalt  }
0x58: {  	_ =	shalt  }
0x59: {  	_ =	shalt  }
0x5a: {  	_ =	shalt  }
0x5b: {  	_ =	shalt  }
0x5c: {  	_ =	shalt  }
0x5d: {  	_ =	shalt  }
0x5e: {  	_ =	shalt  }
0x5f: {  	_ =	shalt  }
0x60: {  	_ =	shalt  }
0x61: {  	_ =	shalt  }
0x62: {  	_ =	shalt  }
0x63: {  	_ =	shalt  }
0x64: {  	_ =	shalt  }
0x65: {  	_ =	shalt  }
0x66: {  	_ =	shalt  }
0x67: {  	_ =	shalt  }
0x68: {  	_ =	shalt  }
0x69: {  	_ =	shalt  }
0x6a: {  	_ =	shalt  }
0x6b: {  	_ =	shalt  }
0x6c: {  	_ =	shalt  }
0x6d: {  	_ =	shalt  }
0x6e: {  	_ =	shalt  }
0x6f: {  	_ =	shalt  }
0x70: {  	_ =	shalt  }
0x71: {  	_ =	shalt  }
0x72: {  	_ =	shalt  }
0x73: {  	_ =	shalt  }
0x74: {  	_ =	shalt  }
0x75: {  	_ =	shalt  }
0x76: {  	_ =	shalt  }
0x77: {  	_ =	shalt  }
0x78: {  	_ =	shalt  }
0x79: {  	_ =	shalt  }
0x7a: {  	_ =	shalt  }
0x7b: {  	_ =	shalt  }
0x7c: {  	_ =	shalt  }
0x7d: {  	_ =	shalt  }
0x7e: {  	_ =	shalt  }
0x7f: {  	_ =	shalt  }
0x80: {  	_ =	shalt  }
0x81: {  	_ =	shalt  }
0x82: {  	_ =	shalt  }
0x83: {  	_ =	shalt  }
0x84: {  	_ =	shalt  }
0x85: {  	_ =	shalt  }
0x86: {  	_ =	shalt  }
0x87: {  	_ =	shalt  }
.Lfunc_end0:
.L_simem_size_0:
called_computation.2_lowered:
.L_overlay_start_0:
0x88: {  	s2 =	sld [smem:$0x3FD9]  }
0x89: {  	s3 =	sld [smem:$0x3FFE];
	_ =	sdelay $0x1  }
0x8a: {  	s1 =	srdreg.scid  }
0x8b: {  	s0 =	sand.u32 $0x1, s1  }
0x8c: {  	s16 =	sshll.u32 s0, $0xA;
	s2 =	sadd.s32 s3, s2  }
0x8d: {  	s2 =	sadd.s32 s2, s16  }
0x8e: {  	[smem:$0x3FC0] =	sst s2  }
0x8f: {  	_ = 	snop  }
0x90: {  	(tm) =	ssettm $0x1  }
0x91: {  	s17 =	sld [smem:$0x3FFB];
	_ =	sdelay $0x3  }
0x92: {  	_ =	strace s17  }
0x93: {  	s2 =	sld [smem:$0x3FFC];
	_ =	sdelay $0x3  }
0x94: {  	_ =	strace s2  }
0x95: {  	s2 =	sld [smem:$0x3FFD];
	_ =	sdelay $0x3  }
0x96: {  	_ =	strace s2  }
0x97: {  	_ =	strace $0x8FFFFFFF  }
0x98: {  	s18 =	sld [smem:$0x3FDB];
	_ =	sdelay $0x1  }
0x99: {  	s19 =	simm.s32 $_scs_section_size  }
0x9a: {  	s4 =	simm.s32 $_size__tile_overlayer_lowered;
	s5 =	simm.s32 $_tile_overlayer_lowered  }
0x9b: {  	s22 =	simm.s32 $0x1BFF;
	s21 =	sshll.u32 s5, $0x1;
	s2 =	sadd.s32 s19, s18  }
0x9c: {  	s6 =	simm.s32 $0x0;
	s20 =	sshll.u32 s4, $0x1;
	s4 =	sadd.s32 s21, s2  }
0x9d: {  	[timem:s6], [sflag:s22] =	dma.local [hbm:s4], s20  }
0x9e: {  	_ =	swait.ge [sflag:s22], s20  }
0x9f: {  	s3 =	ssub.s32 $0x0, s20;
	[sflag:s22] =	ssyncset.done $0x0  }
0xa0: {  	[sflag:s22] =	ssyncadd.s32 s3;
	_ =	sdelay $0x1  }
0xa1: {  	s23 =	simm.s32 $0x1B8B  }
0xa2: {  	_ =	swait.ge [sflag:s23], $0x1  }
0xa3: {  	[sflag:s23] =	ssyncset.done $0x0  }
0xa4: {  	s25 =	simm.s32 $0x1B8E;
	s24 =	sld [smem:$0x3FFE];
	[sflag:s23] =	ssyncadd.s32 $0xFFFFFFFF  }
0xa5: {  	s26 =	simm.s32 $execute0_lowered;
	[smem:$0x3FD2] =	sst s25  }
0xa6: {  	s4 =	sshll.u32 s26, $0x1;
	_ =	strace $0x8000004C;
	[dreg:$0x1] =	wrdreg $0xFFFFFFFF  }
0xa7: {  	s28 =	simm.s32 $_size_execute0_lowered;
	s2 =	sadd.s32 s2, s4;
	[dreg:$0x0] =	wrdreg $0x0  }
0xa8: {  	s4 =	sshll.u32 s28, $0x1;
	[dreg:$0x2] =	wrdreg s2  }
0xa9: {  	[dreg:$0x3] =	wrdreg s4  }
0xaa: {  	[dreg:$0x4] =	wrdreg $0xC0  }
0xab: {  	_ =	task [dreg:s6], $0x5FFFF  }
0xac: {  	[dreg:$0x1] =	wrdreg $0xFFFFFFFF  }
0xad: {  	[dreg:$0x0] =	wrdreg $0x60  }
0xae: {  	[dreg:$0x2] =	wrdreg s24  }
0xaf: {  	[dreg:$0x3] =	wrdreg $0x130000  }
0xb0: {  	[dreg:$0x4] =	wrdreg $0x90000  }
0xb1: {  	[dreg:$0x5] =	wrdreg $0x9  }
0xb2: {  	_ =	task.clear_ibuf [dreg:s6], $0x6FFFF;
	_ =	strace $0x9000004C  }
0xb3: {  	s29 =	simm.s32 $0x9;
	_ =	strace $0x8000004E  }
0xb4: {  	_ =	swait.ge [sflag:s29], $0x1  }
0xb5: {  	[sflag:s29] =	ssyncadd.s32 $0xFFFFFFFF  }
0xb6: {  	_ =	strace $0x9000004E  }
0xb7: {  	_ =	sfence  }
0xb8: {  	s30 =	sld [smem:$0x0];
	_ =	sdelay $0x2  }
0xb9: {  	s31 =	sshll.u32 s1, $0xD;
	s1 =	sshrl.u32 s1, $0x2  }
0xba: {  	s3 =	sand.u32 $0x4000, s31;
	s1 =	sadd.s32 s1, s30  }
0xbb: {  	s0 =	sor.u32 s3, s0;
	s1 =	sshll.u32 s1, $0x11  }
0xbc: {  	s0 =	sor.u32 s1, s0  }
0xbd: {  	s0 =	sadd.s32 $0x8F2B, s0  }
0xbe: {  	[sflag:s0] =	ssyncadd.remote.s32 $0x1  }
0xbf: {  	_ =	sfence.sel $0xFFFF  }
0xc0: {  	[dreg:$0x0] =	wrdreg $0xFFFFFFFF;
	(pc) =	sbr.abs _section_cstart, $3  }
0xc1: {  	[dreg:$0x1] =	wrdreg $0xFFFFFFFF  }
0xc2: {  	_ =	task.clear_ibuf [dreg:s6], $0x2FFFF;
	_ =	strace $0x9FFFFFFF  }
0xc3: {  	(tm) =	ssettm $0x7FFFFFFF  }
tec
execute0_lowered:
.L_overlay_start_1:
0x0: {  	(tag) =	ssettag $0x1  }
0x1: {  	s6 =	rddreg [dreg:$0x0]  }
0x2: {  	s2 =	rddreg [dreg:$0x1]  }
0x3: {  	s0 =	srdreg.scid;
	s3 =	rddreg [dreg:$0x2];
	s4 =	simm.s32 $0x0  }
0x4: {  	s16 =	simm.s32 $0x80;
	s17 =	simm.s32 $0x5000;
	s18 =	simm.s32 $0x7000  }
0x5: {  	s19 =	simm.s32 $0x3;
	s20 =	simm.s32 $0x2;
	s21 =	simm.s32 $0x4F00  }
0x6: {  	s22 =	simm.s32 $0x4F80;
	s5 =	sand.u32 $0x1, s0;
	s0 =	stileid.u32  }
0x7: {  	s24 =	simm.s32 $0x0;
	[smem:$0x7FF] =	sst s4;
	s7 =	smul.u32 $0xA000, s0  }
0x8: {  	s1 =	sshll.u32 s5, $0x4;
	s10 =	smul.u32 $0xA0000, s5;
	s31 =	ssub.s32 $0x2, s5  }
0x9: {  	s5 =	sadd.s32 $0xBE00, s6;
	s23 =	sshll.u32 s0, $0x6;
	s8 =	sor.u32 s0, s1  }
0xa: {  	s1 =	rddreg [dreg:$0x3];
	_ =	strace $0x8000004D;
	s12 =	sshrl.u32 s31, $0x1  }
0xb: {  	s8 =	smul.u32 $0x500, s8;
	s9 =	sshrl.u32 s7, $0x3;
	s30 =	sadd.s32 s7, s10  }
0xc: {  	s12 =	ssub.s32 s31, s12;
	s14 =	sadd.s32 s7, s2;
	s15 =	sadd.s32 s7, s3  }
0xd: {  	s9 =	sadd.s32 s9, s6;
	s11 =	sadd.s32 s8, s6;
	s8 =	sshrl.u32 s30, $0x3  }
0xe: {  	s7 =	sadd.s32 $0x6FE00, s9;
	s13 =	sadd.s32 s8, s6;
	s6 =	sor.u32 $0x1C01, s23  }
0xf: {  	s8 =	sadd.s32 $0x15E00, s11;
	s9 =	sadd.s32 $0x1E00, s11;
	s11 =	smax.u32 s12, $0x1  }
0x10: {  	s12 =	sshrl.u32 s14, $0x3;
	s14 =	simm.s32 $0x2800;
	s23 =	sor.u32 $0x1C03, s23  }
0x11: {  	s10 =	sadd.s32 $0x83E00, s13;
	s13 =	sshrl.u32 s15, $0x3;
	s15 =	simm.s32 $0x1  }
.LBB2_1:
0x12: {  	[spmem:s12], [sflag:s6] =	dma.local [hbm:s5], $0x1400  }
0x13: {  	[spmem:s13], [sflag:s6] =	dma.local [hbm:s7], $0x1400  }
0x14: {  	[tilespmem:s4], [sflag:$0x1] =	stream.linear.gather [hbm4b:s8+s4], $0x2800, $0x38;
	[tilespmem:$0x1D000] =	vst v63  }
0x15: {  	_ = 	snop  }
0x16: {  	[tilespmem:s14], [sflag:$0x1] =	stream.linear.gather [hbm4b:s9+s4], $0x2800, $0x38;
	[tilespmem:$0x1D000] =	vst v63  }
0x17: {  	_ =	swait.ge [sflag:s15], $0x1400  }
0x18: {  	[sflag:s15] =	ssyncset.done $0x0  }
0x19: {  	[sflag:s15] =	ssyncadd.s32 $0xFFFFEC00  }
0x1a: {  	_ =	swait.ge [sflag:s15], $0x1400  }
0x1b: {  	[sflag:s15] =	ssyncset.done $0x0  }
0x1c: {  	[sflag:s15] =	ssyncadd.s32 $0xFFFFEC00  }
0x1d: {  	_ =	swait.ge [sflag:s15], $0x2800  }
0x1e: {  	[sflag:s15] =	ssyncset.done $0x0  }
0x1f: {  	[sflag:s15] =	ssyncadd.s32 $0xFFFFD800  }
0x20: {  	_ =	swait.ge [sflag:s15], $0x2800  }
0x21: {  	[sflag:s15] =	ssyncset.done $0x0  }
0x22: {  	[sflag:s15] =	ssyncadd.s32 $0xFFFFD800  }
0x23: {  	[bflag:$0x0] =	sbarrier.arrive $0xFFFF  }
0x24: {  	[tilespmem:s17], [sflag:$0x1] =	stream.indirect.gather [spmem:s3], $0x40, s4, s16, $0xb8;
	[tilespmem:$0x1D000] =	vst v63  }
0x25: {  	_ = 	snop  }
0x26: {  	[tilespmem:s18], [sflag:$0x2] =	stream.indirect.gather [spmem:s3], $0x40, s16, s16, $0xb8;
	[tilespmem:$0x1D000] =	vst v63  }
0x27: {  	_ =	swait.ge [sflag:s15], $0x2000  }
0x28: {  	[sflag:s15] =	ssyncset.done $0x0  }
0x29: {  	s25 =	simm.s32 $0x2800;
	[sflag:s15] =	ssyncadd.s32 $0xFFFFE000  }
0x2a: {  	[spmem:s2] =	stream.indirect.scatter.add.f32 [tilespmem:s17], [sflag:$0x3], $0x40, s25, s16, $0xb8;
	[tilespmem:$0x1D000] =	vst v63  }
0x2b: {  	_ =	swait.ge [sflag:s19], $0x2000  }
0x2c: {  	[sflag:s19] =	ssyncset.done $0x0  }
0x2d: {  	s30 =	simm.s32 $0x100;
	[sflag:s19] =	ssyncadd.s32 $0xFFFFE000  }
0x2e: {  	[tilespmem:s17], [sflag:$0x1] =	stream.indirect.gather [spmem:s3], $0x40, s30, s16, $0xb8;
	[tilespmem:$0x1D000] =	vst v63  }
0x2f: {  	_ =	swait.ge [sflag:s20], $0x2000  }
0x30: {  	[sflag:s20] =	ssyncset.done $0x0  }
0x31: {  	s31 =	simm.s32 $0x2880;
	[sflag:s20] =	ssyncadd.s32 $0xFFFFE000  }
0x32: {  	[spmem:s2] =	stream.indirect.scatter.add.f32 [tilespmem:s18], [sflag:$0x3], $0x40, s31, s16, $0xb8;
	[tilespmem:$0x1D000] =	vst v63  }
0x33: {  	_ =	swait.ge [sflag:s19], $0x2000  }
0x34: {  	[sflag:s19] =	ssyncset.done $0x0  }
0x35: {  	s26 =	simm.s32 $0x180;
	s25 =	simm.s32 $0x400;
	[sflag:s19] =	ssyncadd.s32 $0xFFFFE000  }
.LBB2_2:
0x36: {  	[tilespmem:s18], [sflag:$0x2] =	stream.indirect.gather [spmem:s3], $0x40, s26, s16, $0xb8;
	[tilespmem:$0x1D000] =	vst v63  }
0x37: {  	s26 =	smov.u32 s25  }
0x38: {  	p0 =	sne.s32 s25, $0x9800;
	s25 =	sadd.s32 $0x400, s25;
	_ =	swait.ge [sflag:s15], $0x2000  }
0x39: {  	s26 =	sshra.s32 s26, $0x2;
	[sflag:s15] =	ssyncset.done $0x0  }
0x3a: {  	s28 =	sadd.s32 $0x2800, s26;
	[sflag:s15] =	ssyncadd.s32 $0xFFFFE000  }
0x3b: {  	[spmem:s2] =	stream.indirect.scatter.add.f32 [tilespmem:s17], [sflag:$0x3], $0x40, s28, s16, $0xb8;
	[tilespmem:$0x1D000] =	vst v63  }
0x3c: {  	_ =	swait.ge [sflag:s19], $0x2000  }
0x3d: {  	[sflag:s19] =	ssyncset.done $0x0  }
0x3e: {  	s28 =	sadd.s32 $0x100, s26;
	[sflag:s19] =	ssyncadd.s32 $0xFFFFE000  }
0x3f: {  	[tilespmem:s17], [sflag:$0x1] =	stream.indirect.gather [spmem:s3], $0x40, s28, s16, $0xb8;
	[tilespmem:$0x1D000] =	vst v63  }
0x40: {  	_ =	swait.ge [sflag:s20], $0x2000  }
0x41: {  	[sflag:s20] =	ssyncset.done $0x0  }
.Ltmp0:
0x42: {  	s28 =	sadd.s32 $0x2880, s26;
	[sflag:s20] =	ssyncadd.s32 $0xFFFFE000;
	(pc) =	sbr.rel @p0 .LBB2_2-.Ltmp0, $4  }
0x43: {  	[spmem:s2] =	stream.indirect.scatter.add.f32 [tilespmem:s18], [sflag:$0x3], $0x40, s28, s16, $0xb8;
	[tilespmem:$0x1D000] =	vst v63  }
0x44: {  	_ =	swait.ge [sflag:s19], $0x2000  }
0x45: {  	[sflag:s19] =	ssyncset.done $0x0  }
0x46: {  	s26 =	sadd.s32 $0x180, s26;
	[sflag:s19] =	ssyncadd.s32 $0xFFFFE000  }
0x47: {  	[tilespmem:s18], [sflag:$0x2] =	stream.indirect.gather [spmem:s3], $0x40, s26, s16, $0xb8;
	[tilespmem:$0x1D000] =	vst v63  }
0x48: {  	_ =	swait.ge [sflag:s15], $0x2000  }
0x49: {  	[sflag:s15] =	ssyncset.done $0x0  }
0x4a: {  	[sflag:s15] =	ssyncadd.s32 $0xFFFFE000  }
0x4b: {  	[spmem:s2] =	stream.indirect.scatter.add.f32 [tilespmem:s17], [sflag:$0x3], $0x40, s21, s16, $0xb8;
	[tilespmem:$0x1D000] =	vst v63  }
0x4c: {  	_ =	swait.ge [sflag:s19], $0x2000  }
0x4d: {  	[sflag:s19] =	ssyncset.done $0x0  }
0x4e: {  	[sflag:s19] =	ssyncadd.s32 $0xFFFFE000  }
0x4f: {  	_ =	swait.ge [sflag:s20], $0x2000  }
0x50: {  	[sflag:s20] =	ssyncset.done $0x0  }
0x51: {  	[sflag:s20] =	ssyncadd.s32 $0xFFFFE000  }
0x52: {  	[spmem:s2] =	stream.indirect.scatter.add.f32 [tilespmem:s18], [sflag:$0x3], $0x40, s22, s16, $0xb8;
	[tilespmem:$0x1D000] =	vst v63  }
0x53: {  	_ =	swait.ge [sflag:s19], $0x2000  }
0x54: {  	s24 =	sadd.s32 $0x1, s24;
	[sflag:s19] =	ssyncset.done $0x0  }
0x55: {  	p0 =	sne.s32 s24, s11;
	[sflag:s19] =	ssyncadd.s32 $0xFFFFE000  }
.Ltmp1:
0x56: {  	[bflag:$0x0] =	sbarrier.arrive $0xFFFF;
	(pc) =	sbr.rel @p0 .LBB2_1-.Ltmp1, $4  }
0x57: {  	[hbm:s10], [sflag:s23] =	dma.local [spmem:s12], $0x1400  }
0x58: {  	_ =	swait.ge [sflag:s19], $0x1400  }
0x59: {  	[sflag:s19] =	ssyncset.done $0x0  }
0x5a: {  	[sflag:s19] =	ssyncadd.s32 $0xFFFFEC00  }
0x5b: {  	_ =	sfence.sel $0x180000  }
0x5c: {  	[bflag:$0x0] =	sbarrier.arrive $0xFFFF  }
0x5d: {  	p0 =	sne.s32 s0, $0x0;
	_ =	strace $0x9000004D  }
0x5e: {  	s0 =	sadd.s32 @!p0 $0x100000, s1;
	[bflag:$0x2] =	sbarrier.arrive $0xFFFF  }
0x5f: {  	[sflag:s0] =	ssyncadd.tile.s32 @!p0 $0x1;
	_ =	shalt  }
.Lfunc_end2:
_tile_overlayer_lowered:
.L_overlay_start_2:
0x60: {  	(tag) =	ssettag $0x2  }
0x61: {  	s0 =	rddreg [dreg:$0x0];
	s2 =	stileid.u32  }
0x62: {  	s1 =	rddreg [dreg:$0x1];
	p0 =	sne.s32 s2, $0x0  }
0x63: {  	s3 =	rddreg [dreg:$0x2];
	[bflag:$0x3] =	sbarrier.arrive $0xFFFF;
	s2 =	simm.s32 @!p0 $0x1C03  }
0x64: {  	[timem:s3], [sflag:s2] =	dma.local @!p0 [hbm:s0], s1  }
0x65: {  	s0 =	simm.s32 @!p0 $0x3  }
0x66: {  	_ =	swait.ge @!p0 [sflag:s0], s1  }
0x67: {  	s1 =	ssub.s32 @!p0 $0x0, s1;
	[sflag:s0] =	ssyncset.done @!p0 $0x0  }
0x68: {  	[sflag:s0] =	ssyncadd.s32 @!p0 s1  }
0x69: {  	[bflag:$0x3] =	sbarrier.arrive $0xFFFF  }
0x6a: {  	_ =	shalt  }

// kernel: kernel.8.cloned.1.call-start
scs
__scs_entry_jumppad:
0x0: {  	(pc) =	sbr.rel $0x88, $3  }
0x1: {  	(tag) =	ssettag $0x0;
	lr =	simm.s32 $0x1  }
0x2: {  	[smem:$0x3F99] =	sst lr;
	_ =	strace $0xD0000000  }
0x3: {  	_ = 	snop  }
0x4: {  	_ = 	snop  }
0x5: {  	_ = 	snop  }
0x6: {  	_ = 	snop  }
0x7: {  	_ = 	snop  }
__scs_overlays_trampoline_lowered:
0x8: {  	[smem:$0x3FA8] =	sst s0  }
0x9: {  	[smem:$0x3FA9] =	sst s1  }
0xa: {  	[smem:$0x3FAA] =	sst s2  }
0xb: {  	[smem:$0x3FAB] =	sst s3  }
0xc: {  	[smem:$0x3FAC] =	sst s4  }
0xd: {  	[smem:$0x3FAD] =	sst s5  }
0xe: {  	[smem:$0x3FAE] =	sst s6  }
0xf: {  	[smem:$0x3FAF] =	sst s7  }
0x10: {  	[smem:$0x3FB0] =	sst s8  }
0x11: {  	[smem:$0x3FB1] =	sst s9;
	s0 =	simm.s32 @!p0 $0x0  }
0x12: {  	s1 =	sld [smem:$0x3F97];
	s0 =	simm.s32 @p0 $0x1  }
0x13: {  	[smem:$0x3FB2] =	sst s0;
	s0 =	simm.s32 @!p1 $0x0  }
0x14: {  	s2 =	sld [smem:$0x3F96];
	s0 =	simm.s32 @p1 $0x1  }
0x15: {  	[smem:$0x3FB3] =	sst s0;
	s0 =	simm.s32 @!p2 $0x0  }
0x16: {  	s3 =	sld [smem:$0x3FDB];
	s0 =	simm.s32 @p2 $0x1  }
0x17: {  	s4 =	simm.s32 $0x1BF5;
	[smem:$0x3FB5] =	sst s0  }
0x18: {  	s0 =	sld [smem:$0x3F98];
	_ =	swait.ge [sflag:s4], $0x0  }
0x19: {  	s7 =	sld [smem:$0x3F99]  }
0x1a: {  	s8 =	sadd.s32 $0xFFFFE003, lr  }
0x1b: {  	s9 =	sadd.s32 $0xFFFFFEF7, lr;
	s5 =	simm.s32 $0xFFFFFFFF;
	p2 =	slt.u32 s8, $0xFFFFF086  }
0x1c: {  	p1 =	slt.u32 s9, $0xF7A;
	s5 =	simm.s32 @!p2 $0x0  }
0x1d: {  	s5 =	simm.s32 @p1 $0x1;
	p0 =	seq.s32 s7, s2  }
0x1e: {  	s7 =	smul.u32 @!p0 $0xF7A, s2;
	p2 =	seq.s32 @!p0 s5, $0x0  }
0x1f: {  	s9 =	smul.u32 $0xF7A, s1;
	s8 =	simm.s32 @!p0 $0x1BF5;
	p2 =	por !p2, p0  }
0x20: {  	[sflag:s8] =	ssyncset.s32 @!p0 $0xFFFFF086;
	s6 =	sadd.s32 @!p0 s3, s7;
	s7 =	simm.s32 @!p0 $0x108  }
0x21: {  	s3 =	sadd.s32 s3, s9;
	s6 =	sadd.s32 @!p0 $0x88, s6;
	s7 =	simm.s32 @p2 $0x1082  }
0x22: {  	[simem:s7], [sflag:s8] =	dma.local @!p0 [hbm:s6], $0xF7A  }
0x23: {  	s9 =	sor.u32 $0xD0000000, s2;
	s6 =	simm.s32 $0x108;
	_ =	swait.ge @!p0 [sflag:s8], $0x0  }
0x24: {  	s3 =	sadd.s32 $0x88, s3;
	s6 =	simm.s32 @!p1 $0x1082;
	[sflag:s4] =	ssyncset.s32 $0xFFFFF086  }
0x25: {  	[simem:s6], [sflag:s4] =	dma.local [hbm:s3], $0xF7A  }
0x26: {  	[smem:$0x3F99] =	sst s1;
	(tag) =	ssettag s2;
	_ =	strace s9  }
0x27: {  	s1 =	sld [smem:$0x3FA9]  }
0x28: {  	s2 =	sld [smem:$0x3FAA]  }
0x29: {  	s4 =	sld [smem:$0x3FAC]  }
0x2a: {  	p0 =	seq.s32 s5, $0x0;
	s5 =	sld [smem:$0x3FAD]  }
0x2b: {  	s6 =	sld [smem:$0x3FAE]  }
0x2c: {  	s7 =	sld [smem:$0x3FAF]  }
0x2d: {  	s3 =	simm.s32 $0x108;
	s8 =	sld [smem:$0x3FB0]  }
0x2e: {  	s3 =	simm.s32 @!p0 $0x1082;
	s9 =	sld [smem:$0x3FB1]  }
0x2f: {  	lr =	sadd.s32 s0, s3;
	s0 =	sld [smem:$0x3FA8]  }
0x30: {  	s3 =	sld [smem:$0x3FAB]  }
0x31: {  	[smem:$0x3FB4] =	sst s10  }
0x32: {  	s10 =	sld [smem:$0x3FB2];
	_ =	sdelay $0x3  }
0x33: {  	p0 =	seq.s32 s10, $0x1;
	s10 =	sld [smem:$0x3FB4];
	_ =	sdelay $0x3  }
0x34: {  	[smem:$0x3FB4] =	sst s10  }
0x35: {  	s10 =	sld [smem:$0x3FB3];
	_ =	sdelay $0x3  }
0x36: {  	p1 =	seq.s32 s10, $0x1;
	s10 =	sld [smem:$0x3FB4];
	_ =	sdelay $0x3  }
0x37: {  	[smem:$0x3FB4] =	sst s10  }
0x38: {  	s10 =	sld [smem:$0x3FB5]  }
0x39: {  	_ = 	snop;
	(pc) =	sbr.ind lr, $3  }
0x3a: {  	_ = 	snop  }
0x3b: {  	_ = 	snop  }
0x3c: {  	p2 =	seq.s32 s10, $0x1;
	s10 =	sld [smem:$0x3FB4]  }
0x3d: {  	_ =	shalt  }
0x3e: {  	_ =	shalt  }
0x3f: {  	_ =	shalt  }
0x40: {  	_ =	shalt  }
0x41: {  	_ =	shalt  }
0x42: {  	_ =	shalt  }
0x43: {  	_ =	shalt  }
0x44: {  	_ =	shalt  }
0x45: {  	_ =	shalt  }
0x46: {  	_ =	shalt  }
0x47: {  	_ =	shalt  }
0x48: {  	_ =	shalt  }
0x49: {  	_ =	shalt  }
0x4a: {  	_ =	shalt  }
0x4b: {  	_ =	shalt  }
0x4c: {  	_ =	shalt  }
0x4d: {  	_ =	shalt  }
0x4e: {  	_ =	shalt  }
0x4f: {  	_ =	shalt  }
0x50: {  	_ =	shalt  }
0x51: {  	_ =	shalt  }
0x52: {  	_ =	shalt  }
0x53: {  	_ =	shalt  }
0x54: {  	_ =	shalt  }
0x55: {  	_ =	shalt  }
0x56: {  	_ =	shalt  }
0x57: {  	_ =	shalt  }
0x58: {  	_ =	shalt  }
0x59: {  	_ =	shalt  }
0x5a: {  	_ =	shalt  }
0x5b: {  	_ =	shalt  }
0x5c: {  	_ =	shalt  }
0x5d: {  	_ =	shalt  }
0x5e: {  	_ =	shalt  }
0x5f: {  	_ =	shalt  }
0x60: {  	_ =	shalt  }
0x61: {  	_ =	shalt  }
0x62: {  	_ =	shalt  }
0x63: {  	_ =	shalt  }
0x64: {  	_ =	shalt  }
0x65: {  	_ =	shalt  }
0x66: {  	_ =	shalt  }
0x67: {  	_ =	shalt  }
0x68: {  	_ =	shalt  }
0x69: {  	_ =	shalt  }
0x6a: {  	_ =	shalt  }
0x6b: {  	_ =	shalt  }
0x6c: {  	_ =	shalt  }
0x6d: {  	_ =	shalt  }
0x6e: {  	_ =	shalt  }
0x6f: {  	_ =	shalt  }
0x70: {  	_ =	shalt  }
0x71: {  	_ =	shalt  }
0x72: {  	_ =	shalt  }
0x73: {  	_ =	shalt  }
0x74: {  	_ =	shalt  }
0x75: {  	_ =	shalt  }
0x76: {  	_ =	shalt  }
0x77: {  	_ =	shalt  }
0x78: {  	_ =	shalt  }
0x79: {  	_ =	shalt  }
0x7a: {  	_ =	shalt  }
0x7b: {  	_ =	shalt  }
0x7c: {  	_ =	shalt  }
0x7d: {  	_ =	shalt  }
0x7e: {  	_ =	shalt  }
0x7f: {  	_ =	shalt  }
0x80: {  	_ =	shalt  }
0x81: {  	_ =	shalt  }
0x82: {  	_ =	shalt  }
0x83: {  	_ =	shalt  }
0x84: {  	_ =	shalt  }
0x85: {  	_ =	shalt  }
0x86: {  	_ =	shalt  }
0x87: {  	_ =	shalt  }
.Lfunc_end0:
.L_simem_size_0:
called_computation_lowered:
.L_overlay_start_0:
0x88: {  	s2 =	sld [smem:$0x3FD9]  }
0x89: {  	s3 =	sld [smem:$0x3FFE];
	_ =	sdelay $0x1  }
0x8a: {  	s1 =	srdreg.scid  }
0x8b: {  	s0 =	sand.u32 $0x1, s1  }
0x8c: {  	s16 =	sshll.u32 s0, $0xA;
	s2 =	sadd.s32 s3, s2  }
0x8d: {  	s2 =	sadd.s32 s2, s16  }
0x8e: {  	[smem:$0x3FC0] =	sst s2  }
0x8f: {  	_ = 	snop  }
0x90: {  	(tm) =	ssettm $0x1  }
0x91: {  	s17 =	sld [smem:$0x3FFB];
	_ =	sdelay $0x3  }
0x92: {  	_ =	strace s17  }
0x93: {  	s2 =	sld [smem:$0x3FFC];
	_ =	sdelay $0x3  }
0x94: {  	_ =	strace s2  }
0x95: {  	s2 =	sld [smem:$0x3FFD];
	_ =	sdelay $0x3  }
0x96: {  	_ =	strace s2  }
0x97: {  	_ =	strace $0x8FFFFFFF  }
0x98: {  	s18 =	sld [smem:$0x3FDB];
	_ =	sdelay $0x1  }
0x99: {  	s19 =	simm.s32 $_scs_section_size  }
0x9a: {  	s4 =	simm.s32 $_size__tile_overlayer_lowered;
	s5 =	simm.s32 $_tile_overlayer_lowered  }
0x9b: {  	s22 =	simm.s32 $0x1BFF;
	s21 =	sshll.u32 s5, $0x1;
	s2 =	sadd.s32 s19, s18  }
0x9c: {  	s6 =	simm.s32 $0x0;
	s20 =	sshll.u32 s4, $0x1;
	s4 =	sadd.s32 s21, s2  }
0x9d: {  	[timem:s6], [sflag:s22] =	dma.local [hbm:s4], s20  }
0x9e: {  	_ =	swait.ge [sflag:s22], s20  }
0x9f: {  	s3 =	ssub.s32 $0x0, s20;
	[sflag:s22] =	ssyncset.done $0x0  }
0xa0: {  	[sflag:s22] =	ssyncadd.s32 s3;
	_ =	sdelay $0x1  }
0xa1: {  	s23 =	simm.s32 $0x1B8B  }
0xa2: {  	_ =	swait.ge [sflag:s23], $0x1  }
0xa3: {  	[sflag:s23] =	ssyncset.done $0x0  }
0xa4: {  	s25 =	simm.s32 $0x1B8E;
	s24 =	sld [smem:$0x3FFE];
	[sflag:s23] =	ssyncadd.s32 $0xFFFFFFFF  }
0xa5: {  	s26 =	simm.s32 $execute0_lowered;
	[smem:$0x3FD2] =	sst s25  }
0xa6: {  	s4 =	sshll.u32 s26, $0x1;
	_ =	strace $0x80000046;
	[dreg:$0x1] =	wrdreg $0xFFFFFFFF  }
0xa7: {  	s28 =	simm.s32 $_size_execute0_lowered;
	s2 =	sadd.s32 s2, s4;
	[dreg:$0x0] =	wrdreg $0x0  }
0xa8: {  	s4 =	sshll.u32 s28, $0x1;
	[dreg:$0x2] =	wrdreg s2  }
0xa9: {  	[dreg:$0x3] =	wrdreg s4  }
0xaa: {  	[dreg:$0x4] =	wrdreg $0xC0  }
0xab: {  	_ =	task [dreg:s6], $0x5FFFF  }
0xac: {  	[dreg:$0x1] =	wrdreg $0xFFFFFFFF  }
0xad: {  	[dreg:$0x0] =	wrdreg $0x60  }
0xae: {  	[dreg:$0x2] =	wrdreg s24  }
0xaf: {  	[dreg:$0x3] =	wrdreg $0x38000  }
0xb0: {  	[dreg:$0x4] =	wrdreg $0x9  }
0xb1: {  	_ =	task.clear_ibuf [dreg:s6], $0x5FFFF;
	_ =	strace $0x90000046  }
0xb2: {  	s29 =	simm.s32 $0x9;
	_ =	strace $0x80000048  }
0xb3: {  	_ =	swait.ge [sflag:s29], $0x1  }
0xb4: {  	[sflag:s29] =	ssyncadd.s32 $0xFFFFFFFF  }
0xb5: {  	_ =	strace $0x90000048  }
0xb6: {  	_ =	sfence  }
0xb7: {  	s30 =	sld [smem:$0x0];
	_ =	sdelay $0x2  }
0xb8: {  	s31 =	sshll.u32 s1, $0xD;
	s1 =	sshrl.u32 s1, $0x2  }
0xb9: {  	s3 =	sand.u32 $0x4000, s31;
	s1 =	sadd.s32 s1, s30  }
0xba: {  	s0 =	sor.u32 s3, s0;
	s1 =	sshll.u32 s1, $0x11  }
0xbb: {  	s0 =	sor.u32 s1, s0  }
0xbc: {  	s0 =	sadd.s32 $0x8F2B, s0  }
0xbd: {  	[sflag:s0] =	ssyncadd.remote.s32 $0x1  }
0xbe: {  	_ =	sfence.sel $0xFFFF  }
0xbf: {  	[dreg:$0x0] =	wrdreg $0xFFFFFFFF;
	(pc) =	sbr.abs _section_cstart, $3  }
0xc0: {  	[dreg:$0x1] =	wrdreg $0xFFFFFFFF  }
0xc1: {  	_ =	task.clear_ibuf [dreg:s6], $0x2FFFF;
	_ =	strace $0x9FFFFFFF  }
0xc2: {  	(tm) =	ssettm $0x7FFFFFFF  }
0xc3: {  	_ =	shalt  }
tec
execute0_lowered:
.L_overlay_start_1:
0x0: {  	(tag) =	ssettag $0x1  }
0x1: {  	s4 =	rddreg [dreg:$0x0]  }
0x2: {  	s0 =	srdreg.scid;
	s2 =	rddreg [dreg:$0x1];
	s3 =	simm.s32 $0x0  }
0x3: {  	s19 =	simm.s32 $0x2800;
	s5 =	sand.u32 $0x1, s0;
	s0 =	stileid.u32  }
0x4: {  	[smem:$0x7FF] =	sst s3;
	s14 =	sadd.s32 $0xBE00, s4;
	s8 =	smul.u32 $0x2800, s0  }
0x5: {  	s1 =	sshll.u32 s5, $0x4;
	s7 =	ssub.s32 $0x2, s5;
	s13 =	smul.u32 $0x28000, s5  }
0x6: {  	s6 =	sor.u32 s0, s1;
	s1 =	rddreg [dreg:$0x2];
	s29 =	sshrl.u32 s7, $0x1  }
0x7: {  	_ =	strace $0x80000047;
	s6 =	smul.u32 $0x500, s6;
	s15 =	ssub.s32 s7, s29  }
0x8: {  	s10 =	sadd.s32 $0x800, s8;
	s12 =	sadd.s32 $0x1000, s8;
	s16 =	sadd.s32 $0x1800, s8  }
0x9: {  	s17 =	sadd.s32 $0x2000, s8;
	s11 =	sadd.s32 s8, s13;
	s5 =	sadd.s32 s10, s2  }
0xa: {  	s7 =	sadd.s32 s16, s2;
	s11 =	sshrl.u32 s11, $0x3;
	s18 =	sadd.s32 s13, s10  }
0xb: {  	s16 =	sadd.s32 s13, s16;
	s15 =	smax.u32 s15, $0x1;
	s9 =	sadd.s32 s6, s4  }
0xc: {  	s4 =	sadd.s32 s8, s2;
	s6 =	sadd.s32 s12, s2;
	s8 =	sadd.s32 s17, s2  }
0xd: {  	s10 =	sadd.s32 s14, s11;
	s30 =	sshrl.u32 s18, $0x3;
	s12 =	sadd.s32 s13, s12  }
0xe: {  	s16 =	sshrl.u32 s16, $0x3;
	s17 =	sadd.s32 s13, s17;
	s18 =	simm.s32 $0x80  }
0xf: {  	s9 =	sadd.s32 $0x1E00, s9;
	s11 =	sadd.s32 s14, s30;
	s12 =	sshrl.u32 s12, $0x3  }
0x10: {  	s13 =	sadd.s32 s14, s16;
	s31 =	sshrl.u32 s17, $0x3;
	s16 =	simm.s32 $0x3000  }
0x11: {  	v0 =	vimm.f32 $1.000000000e+00;
	v1 =	vimm.f32 $0.0e+00;
	s17 =	simm.s32 $0x1;
	s12 =	sadd.s32 s14, s12;
	s14 =	sadd.s32 s14, s31  }
.LBB2_1:
0x12: {  	s20 =	simm.s32 $0x40;
	s21 =	simm.s32 $0x0  }
.LBB2_2:
0x13: {  	p0 =	sne.s32 s20, $0x1FC0;
	[tilespmem:s21+$0x2800] =	vst v0;
	s22 =	smov.u32 s20;
	s20 =	sadd.s32 $0x40, s20  }
.Ltmp0:
0x14: {  	[tilespmem:s21+$0x3000] =	vst v1;
	(pc) =	sbr.rel @p0 .LBB2_2-.Ltmp0, $2  }
0x15: {  	_ =	sdelay $0x2  }
0x16: {  	s21 =	sshra.s32 s22, $0x2  }
0x17: {  	[tilespmem:s21+$0x2800] =	vst v0  }
0x18: {  	[tilespmem:s21+$0x3000] =	vst v1  }
0x19: {  	[spmem:s4] =	stream.linear.scatter [tilespmem:s16], [sflag:$0x1], $0x800, $0x38;
	[tilespmem:$0x6000] =	vst v63  }
0x1a: {  	_ =	swait.ge [sflag:s17], $0x800  }
0x1b: {  	[sflag:s17] =	ssyncset.done $0x0  }
0x1c: {  	[sflag:s17] =	ssyncadd.s32 $0xFFFFF800  }
0x1d: {  	[spmem:s5] =	stream.linear.scatter [tilespmem:s16], [sflag:$0x1], $0x800, $0x38;
	[tilespmem:$0x6000] =	vst v63  }
0x1e: {  	_ =	swait.ge [sflag:s17], $0x800  }
0x1f: {  	[sflag:s17] =	ssyncset.done $0x0  }
0x20: {  	[sflag:s17] =	ssyncadd.s32 $0xFFFFF800  }
0x21: {  	[spmem:s6] =	stream.linear.scatter [tilespmem:s16], [sflag:$0x1], $0x800, $0x38;
	[tilespmem:$0x6000] =	vst v63  }
0x22: {  	_ =	swait.ge [sflag:s17], $0x800  }
0x23: {  	[sflag:s17] =	ssyncset.done $0x0  }
0x24: {  	[sflag:s17] =	ssyncadd.s32 $0xFFFFF800  }
0x25: {  	[spmem:s7] =	stream.linear.scatter [tilespmem:s16], [sflag:$0x1], $0x800, $0x38;
	[tilespmem:$0x6000] =	vst v63  }
0x26: {  	_ =	swait.ge [sflag:s17], $0x800  }
0x27: {  	[sflag:s17] =	ssyncset.done $0x0  }
0x28: {  	[sflag:s17] =	ssyncadd.s32 $0xFFFFF800  }
0x29: {  	[spmem:s8] =	stream.linear.scatter [tilespmem:s16], [sflag:$0x1], $0x800, $0x38;
	[tilespmem:$0x6000] =	vst v63  }
0x2a: {  	_ =	swait.ge [sflag:s17], $0x800  }
0x2b: {  	[sflag:s17] =	ssyncset.done $0x0  }
0x2c: {  	[sflag:s17] =	ssyncadd.s32 $0xFFFFF800  }
0x2d: {  	s20 =	simm.s32 $0x0;
	[bflag:$0x0] =	sbarrier.arrive $0xFFFF  }
0x2e: {  	[tilespmem:s20], [sflag:$0x1] =	stream.linear.gather [hbm4b:s9+s20], $0x2800, $0x38;
	[tilespmem:$0x6000] =	vst v63  }
0x2f: {  	_ =	swait.ge [sflag:s17], $0x2800  }
0x30: {  	[sflag:s17] =	ssyncset.done $0x0  }
0x31: {  	s31 =	simm.s32 $0x0;
	[sflag:s17] =	ssyncadd.s32 $0xFFFFD800  }
0x32: {  	[spmem:s2] =	stream.indirect.scatter.add.f32 [tilespmem:s19], [sflag:$0x1], $0x10, s31, s18, $0xb8;
	[tilespmem:$0x6000] =	vst v63  }
0x33: {  	_ =	swait.ge [sflag:s17], $0x800  }
0x34: {  	s20 =	simm.s32 $0x200;
	[sflag:s17] =	ssyncset.done $0x0  }
.LBB2_4:
0x35: {  	s21 =	sshra.s32 s20, $0x2;
	[sflag:s17] =	ssyncadd.s32 $0xFFFFF800;
	p0 =	sne.s32 s20, $0x9E00  }
0x36: {  	[spmem:s2] =	stream.indirect.scatter.add.f32 [tilespmem:s19], [sflag:$0x1], $0x10, s21, s18, $0xb8;
	[tilespmem:$0x6000] =	vst v63  }
.Ltmp1:
0x37: {  	_ = 	snop;
	(pc) =	sbr.rel @p0 .LBB2_4-.Ltmp1, $4  }
0x38: {  	_ = 	snop  }
0x39: {  	s20 =	sadd.s32 $0x200, s20  }
0x3a: {  	_ =	swait.ge [sflag:s17], $0x800  }
0x3b: {  	[sflag:s17] =	ssyncset.done $0x0  }
0x3c: {  	[sflag:s17] =	ssyncadd.s32 $0xFFFFF800;
	s20 =	sshll.u32 s0, $0x6  }
0x3d: {  	s21 =	sshrl.u32 s4, $0x3;
	[bflag:$0x0] =	sbarrier.arrive $0xFFFF;
	s20 =	sor.u32 $0x1C01, s20  }
0x3e: {  	[hbm:s10], [sflag:s20] =	dma.local [spmem:s21], $0x100  }
0x3f: {  	_ =	swait.ge [sflag:s17], $0x100  }
0x40: {  	[sflag:s17] =	ssyncset.done $0x0  }
0x41: {  	s28 =	sshrl.u32 s5, $0x3;
	[sflag:s17] =	ssyncadd.s32 $0xFFFFFF00  }
0x42: {  	[hbm:s11], [sflag:s20] =	dma.local [spmem:s28], $0x100  }
0x43: {  	_ =	swait.ge [sflag:s17], $0x100  }
0x44: {  	[sflag:s17] =	ssyncset.done $0x0  }
0x45: {  	s29 =	sshrl.u32 s6, $0x3;
	[sflag:s17] =	ssyncadd.s32 $0xFFFFFF00  }
0x46: {  	[hbm:s12], [sflag:s20] =	dma.local [spmem:s29], $0x100  }
0x47: {  	_ =	swait.ge [sflag:s17], $0x100  }
0x48: {  	[sflag:s17] =	ssyncset.done $0x0  }
0x49: {  	s30 =	sshrl.u32 s7, $0x3;
	[sflag:s17] =	ssyncadd.s32 $0xFFFFFF00  }
0x4a: {  	[hbm:s13], [sflag:s20] =	dma.local [spmem:s30], $0x100  }
0x4b: {  	s3 =	sadd.s32 $0x1, s3;
	_ =	swait.ge [sflag:s17], $0x100  }
0x4c: {  	p0 =	sne.s32 s3, s15;
	[sflag:s17] =	ssyncset.done $0x0  }
.Ltmp2:
0x4d: {  	s31 =	sshrl.u32 s8, $0x3;
	[sflag:s17] =	ssyncadd.s32 $0xFFFFFF00;
	(pc) =	sbr.rel @p0 .LBB2_1-.Ltmp2, $4  }
0x4e: {  	[hbm:s14], [sflag:s20] =	dma.local [spmem:s31], $0x100  }
0x4f: {  	_ =	swait.ge [sflag:s17], $0x100  }
0x50: {  	[sflag:s17] =	ssyncset.done $0x0  }
0x51: {  	[sflag:s17] =	ssyncadd.s32 $0xFFFFFF00  }
0x52: {  	_ =	sfence.sel $0x180000  }
0x53: {  	[bflag:$0x0] =	sbarrier.arrive $0xFFFF  }
0x54: {  	p0 =	sne.s32 s0, $0x0;
	_ =	strace $0x90000047  }
0x55: {  	s0 =	sadd.s32 @!p0 $0x100000, s1;
	[bflag:$0x2] =	sbarrier.arrive $0xFFFF  }
0x56: {  	[sflag:s0] =	ssyncadd.tile.s32 @!p0 $0x1;
	_ =	shalt  }
.Lfunc_end2:
_tile_overlayer_lowered:
.L_overlay_start_2:
0x57: {  	(tag) =	ssettag $0x2  }
0x58: {  	s0 =	rddreg [dreg:$0x0];
	s2 =	stileid.u32  }
0x59: {  	s1 =	rddreg [dreg:$0x1];
	p0 =	sne.s32 s2, $0x0  }
0x5a: {  	s3 =	rddreg [dreg:$0x2];
	[bflag:$0x3] =	sbarrier.arrive $0xFFFF;
	s2 =	simm.s32 @!p0 $0x1C01  }
0x5b: {  	[timem:s3], [sflag:s2] =	dma.local @!p0 [hbm:s0], s1  }
0x5c: {  	s0 =	simm.s32 @!p0 $0x1  }
0x5d: {  	_ =	swait.ge @!p0 [sflag:s0], s1  }
0x5e: {  	s1 =	ssub.s32 @!p0 $0x0, s1;
	[sflag:s0] =	ssyncset.done @!p0 $0x0  }
0x5f: {  	[sflag:s0] =	ssyncadd.s32 @!p0 s1  }
0x60: {  	[bflag:$0x3] =	sbarrier.arrive $0xFFFF  }
0x61: {  	_ =	shalt  }

</sc_bundles>
